<compile_context>
chip_gen: v7x
topology: tpu7x:2x2x1
jax: 0.10.2.dev20260603
libtpu: 0.0.44.dev20260713+nightly
codegen_flags: <defaults>
</compile_context>

<pallas_src>
import functools

import jax
import jax.numpy as jnp
from jax import lax
from jax.experimental import pallas as pl
from jax.experimental.pallas import tpu as pltpu
from jax.experimental.pallas import tpu_sc as plsc

D = 32
L = 16
EPS = 1e-8


def _rsqrt(x):
    i = plsc.bitcast(x, jnp.int32)
    i = jnp.int32(0x5F3759DF) - lax.shift_right_arithmetic(i, 1)
    y = plsc.bitcast(i, jnp.float32)
    for _ in range(3):
        y = y * (jnp.float32(1.5) - jnp.float32(0.5) * x * y * y)
    return y


def _make_sc_call(B, NC, NS):
    NW = NC * NS
    bpw = B // NW
    ngroups = bpw // L
    mesh = plsc.VectorSubcoreMesh(core_axis_name="c", subcore_axis_name="s")

    @functools.partial(
        pl.kernel,
        out_type=jax.ShapeDtypeStruct((B,), jnp.float32),
        mesh=mesh,
        compiler_params=pltpu.CompilerParams(
            needs_layout_passes=False, use_tc_tiling_on_sc=False),
        scratch_types=[
            pltpu.VMEM((bpw,), jnp.int32),
            pltpu.VMEM((bpw,), jnp.int32),
            pltpu.VMEM((bpw, D), jnp.float32),
            pltpu.VMEM((bpw, D), jnp.float32),
            pltpu.VMEM((bpw,), jnp.float32),
            pltpu.VMEM((bpw,), jnp.float32),
            pltpu.VMEM((bpw,), jnp.float32),
            pltpu.SemaphoreType.DMA,
            pltpu.SemaphoreType.DMA,
            pltpu.SemaphoreType.DMA,
            pltpu.SemaphoreType.DMA,
        ],
    )
    def sc_call(users_hbm, movies_hbm, uf_hbm, mf_hbm, ub_hbm, mb_hbm,
                out_hbm, idx_u, idx_m, rows_u, rows_m, bias_u, bias_m,
                out_v, sem0, sem1, sem2, sem3):
        wid = lax.axis_index("s") * NC + lax.axis_index("c")
        base = wid * bpw

        pltpu.sync_copy(users_hbm.at[pl.ds(base, bpw)], idx_u)
        pltpu.sync_copy(movies_hbm.at[pl.ds(base, bpw)], idx_m)
        cp0 = pltpu.async_copy(uf_hbm.at[idx_u], rows_u, sem0)
        cp1 = pltpu.async_copy(mf_hbm.at[idx_m], rows_m, sem1)
        cp2 = pltpu.async_copy(ub_hbm.at[idx_u], bias_u, sem2)
        cp3 = pltpu.async_copy(mb_hbm.at[idx_m], bias_m, sem3)
        cp0.wait()
        cp1.wait()
        cp2.wait()
        cp3.wait()

        lane = lax.iota(jnp.int32, 16)

        def group(g, _):
            row0 = g * L
            rows16 = row0 + lane
            dot = jnp.zeros((L,), jnp.float32)
            nnu = jnp.zeros((L,), jnp.float32)
            nnm = jnp.zeros((L,), jnp.float32)
            for c in range(D):
                colv = jnp.full((L,), c, jnp.int32)
                u = plsc.load_gather(rows_u, [rows16, colv])
                m = plsc.load_gather(rows_m, [rows16, colv])
                dot = dot + u * m
                nnu = nnu + u * u
                nnm = nnm + m * m
            nnu = jnp.maximum(nnu, jnp.float32(1e-24))
            nnm = jnp.maximum(nnm, jnp.float32(1e-24))
            ru = _rsqrt(nnu)
            rm = _rsqrt(nnm)
            nu = nnu * ru
            nm = nnm * rm
            su = jnp.minimum(jnp.float32(1.0), ru)
            sm = jnp.minimum(jnp.float32(1.0), rm)
            denom = jnp.maximum(nu * su * nm * sm, jnp.float32(EPS))
            cos = dot * su * sm / denom
            bu = bias_u[pl.ds(row0, L)]
            bm = bias_m[pl.ds(row0, L)]
            bu = bu * jnp.minimum(
                jnp.float32(1.0),
                jnp.float32(2.0) / jnp.maximum(jnp.abs(bu), jnp.float32(1e-7)))
            bm = bm * jnp.minimum(
                jnp.float32(1.0),
                jnp.float32(2.0) / jnp.maximum(jnp.abs(bm), jnp.float32(1e-7)))
            pred = (cos + bu + bm) * jnp.float32(2.0) + jnp.float32(3.0)
            pred = jnp.clip(pred, jnp.float32(1.0), jnp.float32(5.0))
            out_v[pl.ds(row0, L)] = pred
            return _

        lax.fori_loop(0, ngroups, group, None)
        pltpu.sync_copy(out_v, out_hbm.at[pl.ds(base, bpw)])

    return sc_call


def kernel(users, movies, user_factors, movie_factors, user_biases, movie_biases):
    B = users.shape[0]
    info = plsc.get_sparse_core_info()
    sc_call = _make_sc_call(B, info.num_cores, info.num_subcores)
    return sc_call(
        users.astype(jnp.int32),
        movies.astype(jnp.int32),
        user_factors,
        movie_factors,
        user_biases.reshape(-1),
        movie_biases.reshape(-1),
    )

# --- scband reference (transcript-rebuilt; emitter-appended) ---
"""Pipeline reference for scband-biased-matrix-factorization-19370302505035 (READ-ONLY COPY).

The authoritative reference and input builder live on the scoring server;
editing this copy changes nothing except your own understanding.
"""

import jax, jax.numpy as jnp
import numpy as np

NUM_USERS = 1000000
NUM_MOVIES = 1000000
D = 32
B = 16384
EPS = 1e-8


def _renorm(e, max_norm):
    # emulate torch.nn.Embedding(max_norm=...) lookup-time renormalization
    n = jnp.linalg.norm(e, axis=-1, keepdims=True)
    scale = jnp.where(n > max_norm, max_norm / jnp.maximum(n, 1e-7), 1.0)
    return e * scale


def setup_inputs(seed: int = 0) -> dict:
    key = jax.random.key(seed)
    k1, k2, k3, k4, k5, k6 = jax.random.split(key, 6)
    users = jax.random.randint(k1, (B,), 0, NUM_USERS)
    movies = jax.random.randint(k2, (B,), 0, NUM_MOVIES)
    user_factors = jax.random.uniform(k3, (NUM_USERS, D), minval=-0.25, maxval=0.25, dtype=jnp.float32)
    movie_factors = jax.random.uniform(k4, (NUM_MOVIES, D), minval=-0.25, maxval=0.25, dtype=jnp.float32)
    user_biases = jax.random.uniform(k5, (NUM_USERS, 1), minval=-0.25, maxval=0.25, dtype=jnp.float32)
    movie_biases = jax.random.uniform(k6, (NUM_MOVIES, 1), minval=-0.25, maxval=0.25, dtype=jnp.float32)
    return {
        "users": users,
        "movies": movies,
        "user_factors": user_factors,
        "movie_factors": movie_factors,
        "user_biases": user_biases,
        "movie_biases": movie_biases,
    }


def reference(users, movies, user_factors, movie_factors, user_biases, movie_biases):
    uf = _renorm(jnp.take(user_factors, users, axis=0), 1.0)
    mf = _renorm(jnp.take(movie_factors, movies, axis=0), 1.0)
    ub = _renorm(jnp.take(user_biases, users, axis=0), 2.0)[:, 0]
    mb = _renorm(jnp.take(movie_biases, movies, axis=0), 2.0)[:, 0]
    num = jnp.sum(uf * mf, axis=1)
    denom = jnp.maximum(jnp.linalg.norm(uf, axis=1) * jnp.linalg.norm(mf, axis=1), EPS)
    cos = num / denom
    prediction = (cos + ub + mb) * 2.0 + 3.0
    return jnp.clip(prediction, 1.0, 5.0)

if __name__ == "__main__":
    import jax
    _d = setup_inputs()
    print(jax.jit(kernel)(*tuple(_d.values())))

</pallas_src>

<mosaic_0001>
#map = affine_map<(d0, d1) -> (0)>
#map1 = affine_map<(d0, d1) -> (0, 0)>
module attributes {stable_mosaic.version = 14 : i64} {
  func.func @sc_call(%arg0: i32, %arg1: i32, %arg2: memref<16384xi32, #tpu.memory_space<hbm>>, %arg3: memref<16384xi32, #tpu.memory_space<hbm>>, %arg4: memref<1000000x32xf32, #tpu.memory_space<hbm>>, %arg5: memref<1000000x32xf32, #tpu.memory_space<hbm>>, %arg6: memref<1000000xf32, #tpu.memory_space<hbm>>, %arg7: memref<1000000xf32, #tpu.memory_space<hbm>>, %arg8: memref<16384xf32, #tpu.memory_space<hbm>>, %arg9: memref<512xi32, #tpu.memory_space<vmem>>, %arg10: memref<512xi32, #tpu.memory_space<vmem>>, %arg11: memref<512x32xf32, #tpu.memory_space<vmem>>, %arg12: memref<512x32xf32, #tpu.memory_space<vmem>>, %arg13: memref<512xf32, #tpu.memory_space<vmem>>, %arg14: memref<512xf32, #tpu.memory_space<vmem>>, %arg15: memref<512xf32, #tpu.memory_space<vmem>>, %arg16: memref<!tpu.dma_semaphore, #tpu.memory_space<semaphore_mem>>, %arg17: memref<!tpu.dma_semaphore, #tpu.memory_space<semaphore_mem>>, %arg18: memref<!tpu.dma_semaphore, #tpu.memory_space<semaphore_mem>>, %arg19: memref<!tpu.dma_semaphore, #tpu.memory_space<semaphore_mem>>) attributes {dimension_semantics = [#tpu.dimension_semantics<core_parallel>, #tpu.dimension_semantics<subcore_parallel>], iteration_bounds = array<i64: 2, 16>, scalar_prefetch = 0 : i64, scratch_operands = 11 : i64, tpu.core_type = #tpu.core_type<sc_vector_subcore>, window_params = [{transform_indices = #map}, {transform_indices = #map}, {transform_indices = #map1}, {transform_indices = #map1}, {transform_indices = #map}, {transform_indices = #map}, {transform_indices = #map}]} {
    %mul3A = arith.constant 2 : i32
    %mul3A_0 = arith.muli %arg1, %mul3A : i32
    %add3A = arith.addi %mul3A_0, %arg0 : i32
    %mul3A_1 = arith.constant 512 : i32
    %mul3A_2 = arith.muli %add3A, %mul3A_1 : i32
    "tpu.region"() ({
      %run_scoped3A = tpu.sem_alloc : memref<!tpu.dma_semaphore, #tpu.memory_space<semaphore_mem>>
      %dma_start3A_25 = tpu.memref_slice %arg2[%mul3A_2] : memref<16384xi32, #tpu.memory_space<hbm>> -> memref<512xi32, #tpu.memory_space<hbm>>
      %dma_start3A_26 = tpu.memref_slice %arg2[%mul3A_2] : memref<16384xi32, #tpu.memory_space<hbm>> -> memref<512xi32, #tpu.memory_space<hbm>>
      tpu.enqueue_dma source(%dma_start3A_26 : memref<512xi32, #tpu.memory_space<hbm>>) target(%arg9 : memref<512xi32, #tpu.memory_space<vmem>>) target_semaphore(%run_scoped3A : memref<!tpu.dma_semaphore, #tpu.memory_space<semaphore_mem>>)
      %dma_wait3A_27 = tpu.memref_slice %arg2[%mul3A_2] : memref<16384xi32, #tpu.memory_space<hbm>> -> memref<512xi32, #tpu.memory_space<hbm>>
      %dma_wait3A_28 = tpu.memref_slice %arg2[%mul3A_2] : memref<16384xi32, #tpu.memory_space<hbm>> -> memref<512xi32, #tpu.memory_space<hbm>>
      tpu.wait_dma2 semaphore(%run_scoped3A : memref<!tpu.dma_semaphore, #tpu.memory_space<semaphore_mem>>) src(%dma_wait3A_28 : memref<512xi32, #tpu.memory_space<hbm>>) dst(%arg9 : memref<512xi32, #tpu.memory_space<vmem>>)
      tpu.yield
    }) : () -> ()
    "tpu.region"() ({
      %run_scoped3A = tpu.sem_alloc : memref<!tpu.dma_semaphore, #tpu.memory_space<semaphore_mem>>
      %dma_start3A_25 = tpu.memref_slice %arg3[%mul3A_2] : memref<16384xi32, #tpu.memory_space<hbm>> -> memref<512xi32, #tpu.memory_space<hbm>>
      %dma_start3A_26 = tpu.memref_slice %arg3[%mul3A_2] : memref<16384xi32, #tpu.memory_space<hbm>> -> memref<512xi32, #tpu.memory_space<hbm>>
      tpu.enqueue_dma source(%dma_start3A_26 : memref<512xi32, #tpu.memory_space<hbm>>) target(%arg10 : memref<512xi32, #tpu.memory_space<vmem>>) target_semaphore(%run_scoped3A : memref<!tpu.dma_semaphore, #tpu.memory_space<semaphore_mem>>)
      %dma_wait3A_27 = tpu.memref_slice %arg3[%mul3A_2] : memref<16384xi32, #tpu.memory_space<hbm>> -> memref<512xi32, #tpu.memory_space<hbm>>
      %dma_wait3A_28 = tpu.memref_slice %arg3[%mul3A_2] : memref<16384xi32, #tpu.memory_space<hbm>> -> memref<512xi32, #tpu.memory_space<hbm>>
      tpu.wait_dma2 semaphore(%run_scoped3A : memref<!tpu.dma_semaphore, #tpu.memory_space<semaphore_mem>>) src(%dma_wait3A_28 : memref<512xi32, #tpu.memory_space<hbm>>) dst(%arg10 : memref<512xi32, #tpu.memory_space<vmem>>)
      tpu.yield
    }) : () -> ()
    %dma_start3A = arith.constant 0 : i32
    %dma_start3A_3 = arith.constant 0 : i32
    %dma_start3A_4 = tpu.memref_slice %arg4[%dma_start3A, %dma_start3A_3] : memref<1000000x32xf32, #tpu.memory_space<hbm>> -> memref<1000000x32xf32, #tpu.memory_space<hbm>>
    tpu.enqueue_indirect_dma source(%dma_start3A_4 : memref<1000000x32xf32, #tpu.memory_space<hbm>>) target(%arg11 : memref<512x32xf32, #tpu.memory_space<vmem>>) offsets(%arg9 : memref<512xi32, #tpu.memory_space<vmem>>) semaphore(%arg16 : memref<!tpu.dma_semaphore, #tpu.memory_space<semaphore_mem>>)
    %dma_start3A_5 = arith.constant 0 : i32
    %dma_start3A_6 = arith.constant 0 : i32
    %dma_start3A_7 = tpu.memref_slice %arg5[%dma_start3A_5, %dma_start3A_6] : memref<1000000x32xf32, #tpu.memory_space<hbm>> -> memref<1000000x32xf32, #tpu.memory_space<hbm>>
    tpu.enqueue_indirect_dma source(%dma_start3A_7 : memref<1000000x32xf32, #tpu.memory_space<hbm>>) target(%arg12 : memref<512x32xf32, #tpu.memory_space<vmem>>) offsets(%arg10 : memref<512xi32, #tpu.memory_space<vmem>>) semaphore(%arg17 : memref<!tpu.dma_semaphore, #tpu.memory_space<semaphore_mem>>)
    %dma_start3A_8 = arith.constant 0 : i32
    %dma_start3A_9 = tpu.memref_slice %arg6[%dma_start3A_8] : memref<1000000xf32, #tpu.memory_space<hbm>> -> memref<1000000xf32, #tpu.memory_space<hbm>>
    tpu.enqueue_indirect_dma source(%dma_start3A_9 : memref<1000000xf32, #tpu.memory_space<hbm>>) target(%arg13 : memref<512xf32, #tpu.memory_space<vmem>>) offsets(%arg9 : memref<512xi32, #tpu.memory_space<vmem>>) semaphore(%arg18 : memref<!tpu.dma_semaphore, #tpu.memory_space<semaphore_mem>>)
    %dma_start3A_10 = arith.constant 0 : i32
    %dma_start3A_11 = tpu.memref_slice %arg7[%dma_start3A_10] : memref<1000000xf32, #tpu.memory_space<hbm>> -> memref<1000000xf32, #tpu.memory_space<hbm>>
    tpu.enqueue_indirect_dma source(%dma_start3A_11 : memref<1000000xf32, #tpu.memory_space<hbm>>) target(%arg14 : memref<512xf32, #tpu.memory_space<vmem>>) offsets(%arg10 : memref<512xi32, #tpu.memory_space<vmem>>) semaphore(%arg19 : memref<!tpu.dma_semaphore, #tpu.memory_space<semaphore_mem>>)
    %dma_wait3A = arith.constant 0 : i32
    %dma_wait3A_12 = arith.constant 0 : i32
    %dma_wait3A_13 = tpu.memref_slice %arg4[%dma_wait3A, %dma_wait3A_12] : memref<1000000x32xf32, #tpu.memory_space<hbm>> -> memref<1000000x32xf32, #tpu.memory_space<hbm>>
    tpu.wait_indirect_dma semaphore(%arg16 : memref<!tpu.dma_semaphore, #tpu.memory_space<semaphore_mem>>) src(%dma_wait3A_13 : memref<1000000x32xf32, #tpu.memory_space<hbm>>) dst(%arg11 : memref<512x32xf32, #tpu.memory_space<vmem>>)
    %dma_wait3A_14 = arith.constant 0 : i32
    %dma_wait3A_15 = arith.constant 0 : i32
    %dma_wait3A_16 = tpu.memref_slice %arg5[%dma_wait3A_14, %dma_wait3A_15] : memref<1000000x32xf32, #tpu.memory_space<hbm>> -> memref<1000000x32xf32, #tpu.memory_space<hbm>>
    tpu.wait_indirect_dma semaphore(%arg17 : memref<!tpu.dma_semaphore, #tpu.memory_space<semaphore_mem>>) src(%dma_wait3A_16 : memref<1000000x32xf32, #tpu.memory_space<hbm>>) dst(%arg12 : memref<512x32xf32, #tpu.memory_space<vmem>>)
    %dma_wait3A_17 = arith.constant 0 : i32
    %dma_wait3A_18 = tpu.memref_slice %arg6[%dma_wait3A_17] : memref<1000000xf32, #tpu.memory_space<hbm>> -> memref<1000000xf32, #tpu.memory_space<hbm>>
    tpu.wait_indirect_dma semaphore(%arg18 : memref<!tpu.dma_semaphore, #tpu.memory_space<semaphore_mem>>) src(%dma_wait3A_18 : memref<1000000xf32, #tpu.memory_space<hbm>>) dst(%arg13 : memref<512xf32, #tpu.memory_space<vmem>>)
    %dma_wait3A_19 = arith.constant 0 : i32
    %dma_wait3A_20 = tpu.memref_slice %arg7[%dma_wait3A_19] : memref<1000000xf32, #tpu.memory_space<hbm>> -> memref<1000000xf32, #tpu.memory_space<hbm>>
    tpu.wait_indirect_dma semaphore(%arg19 : memref<!tpu.dma_semaphore, #tpu.memory_space<semaphore_mem>>) src(%dma_wait3A_20 : memref<1000000xf32, #tpu.memory_space<hbm>>) dst(%arg14 : memref<512xf32, #tpu.memory_space<vmem>>)
    %iota3A = tpu.iota {dimensions = array<i32: 0>} : vector<16xi32>
    %scan3A = arith.constant 0 : i32
    %scan3A_21 = arith.constant 32 : i32
    %scan3A_22 = arith.addi %scan3A, %scan3A_21 : i32
    %scan3A_23 = arith.constant 1 : i32
    scf.for %scan3A_25 = %scan3A to %scan3A_22 step %scan3A_23  : i32 {
      %mul3A_26 = arith.constant 16 : i32
      %mul3A_27 = arith.muli %scan3A_25, %mul3A_26 : i32
      %add3A_28 = vector.broadcast %mul3A_27 : i32 to vector<16xi32>
      %add3A_29 = arith.addi %add3A_28, %iota3A : vector<16xi32>
      %broadcast_in_dim3A = arith.constant 0.000000e+00 : f32
      %broadcast_in_dim3A_30 = vector.broadcast %broadcast_in_dim3A : f32 to vector<16xf32>
      %broadcast_in_dim3A_31 = arith.constant 0.000000e+00 : f32
      %broadcast_in_dim3A_32 = vector.broadcast %broadcast_in_dim3A_31 : f32 to vector<16xf32>
      %broadcast_in_dim3A_33 = arith.constant 0.000000e+00 : f32
      %broadcast_in_dim3A_34 = vector.broadcast %broadcast_in_dim3A_33 : f32 to vector<16xf32>
      %broadcast_in_dim3A_35 = arith.constant 0 : i32
      %broadcast_in_dim3A_36 = vector.broadcast %broadcast_in_dim3A_35 : i32 to vector<16xi32>
      %gather3A = tpu.vector_load_idx %arg11[%add3A_29, %broadcast_in_dim3A_36] : memref<512x32xf32, #tpu.memory_space<vmem>>[vector<16xi32>, vector<16xi32>], vector<16xf32>,
      %gather3A_37 = tpu.vector_load_idx %arg12[%add3A_29, %broadcast_in_dim3A_36] : memref<512x32xf32, #tpu.memory_space<vmem>>[vector<16xi32>, vector<16xi32>], vector<16xf32>,
      %mul3A_38 = arith.mulf %gather3A, %gather3A_37 : vector<16xf32>
      %add3A_39 = arith.addf %broadcast_in_dim3A_30, %mul3A_38 : vector<16xf32>
      %mul3A_40 = arith.mulf %gather3A, %gather3A : vector<16xf32>
      %add3A_41 = arith.addf %broadcast_in_dim3A_32, %mul3A_40 : vector<16xf32>
      %mul3A_42 = arith.mulf %gather3A_37, %gather3A_37 : vector<16xf32>
      %add3A_43 = arith.addf %broadcast_in_dim3A_34, %mul3A_42 : vector<16xf32>
      %broadcast_in_dim3A_44 = arith.constant 1 : i32
      %broadcast_in_dim3A_45 = vector.broadcast %broadcast_in_dim3A_44 : i32 to vector<16xi32>
      %gather3A_46 = tpu.vector_load_idx %arg11[%add3A_29, %broadcast_in_dim3A_45] : memref<512x32xf32, #tpu.memory_space<vmem>>[vector<16xi32>, vector<16xi32>], vector<16xf32>,
      %gather3A_47 = tpu.vector_load_idx %arg12[%add3A_29, %broadcast_in_dim3A_45] : memref<512x32xf32, #tpu.memory_space<vmem>>[vector<16xi32>, vector<16xi32>], vector<16xf32>,
      %mul3A_48 = arith.mulf %gather3A_46, %gather3A_47 : vector<16xf32>
      %add3A_49 = arith.addf %add3A_39, %mul3A_48 : vector<16xf32>
      %mul3A_50 = arith.mulf %gather3A_46, %gather3A_46 : vector<16xf32>
      %add3A_51 = arith.addf %add3A_41, %mul3A_50 : vector<16xf32>
      %mul3A_52 = arith.mulf %gather3A_47, %gather3A_47 : vector<16xf32>
      %add3A_53 = arith.addf %add3A_43, %mul3A_52 : vector<16xf32>
      %broadcast_in_dim3A_54 = arith.constant 2 : i32
      %broadcast_in_dim3A_55 = vector.broadcast %broadcast_in_dim3A_54 : i32 to vector<16xi32>
      %gather3A_56 = tpu.vector_load_idx %arg11[%add3A_29, %broadcast_in_dim3A_55] : memref<512x32xf32, #tpu.memory_space<vmem>>[vector<16xi32>, vector<16xi32>], vector<16xf32>,
      %gather3A_57 = tpu.vector_load_idx %arg12[%add3A_29, %broadcast_in_dim3A_55] : memref<512x32xf32, #tpu.memory_space<vmem>>[vector<16xi32>, vector<16xi32>], vector<16xf32>,
      %mul3A_58 = arith.mulf %gather3A_56, %gather3A_57 : vector<16xf32>
      %add3A_59 = arith.addf %add3A_49, %mul3A_58 : vector<16xf32>
      %mul3A_60 = arith.mulf %gather3A_56, %gather3A_56 : vector<16xf32>
      %add3A_61 = arith.addf %add3A_51, %mul3A_60 : vector<16xf32>
      %mul3A_62 = arith.mulf %gather3A_57, %gather3A_57 : vector<16xf32>
      %add3A_63 = arith.addf %add3A_53, %mul3A_62 : vector<16xf32>
      %broadcast_in_dim3A_64 = arith.constant 3 : i32
      %broadcast_in_dim3A_65 = vector.broadcast %broadcast_in_dim3A_64 : i32 to vector<16xi32>
      %gather3A_66 = tpu.vector_load_idx %arg11[%add3A_29, %broadcast_in_dim3A_65] : memref<512x32xf32, #tpu.memory_space<vmem>>[vector<16xi32>, vector<16xi32>], vector<16xf32>,
      %gather3A_67 = tpu.vector_load_idx %arg12[%add3A_29, %broadcast_in_dim3A_65] : memref<512x32xf32, #tpu.memory_space<vmem>>[vector<16xi32>, vector<16xi32>], vector<16xf32>,
      %mul3A_68 = arith.mulf %gather3A_66, %gather3A_67 : vector<16xf32>
      %add3A_69 = arith.addf %add3A_59, %mul3A_68 : vector<16xf32>
      %mul3A_70 = arith.mulf %gather3A_66, %gather3A_66 : vector<16xf32>
      %add3A_71 = arith.addf %add3A_61, %mul3A_70 : vector<16xf32>
      %mul3A_72 = arith.mulf %gather3A_67, %gather3A_67 : vector<16xf32>
      %add3A_73 = arith.addf %add3A_63, %mul3A_72 : vector<16xf32>
      %broadcast_in_dim3A_74 = arith.constant 4 : i32
      %broadcast_in_dim3A_75 = vector.broadcast %broadcast_in_dim3A_74 : i32 to vector<16xi32>
      %gather3A_76 = tpu.vector_load_idx %arg11[%add3A_29, %broadcast_in_dim3A_75] : memref<512x32xf32, #tpu.memory_space<vmem>>[vector<16xi32>, vector<16xi32>], vector<16xf32>,
      %gather3A_77 = tpu.vector_load_idx %arg12[%add3A_29, %broadcast_in_dim3A_75] : memref<512x32xf32, #tpu.memory_space<vmem>>[vector<16xi32>, vector<16xi32>], vector<16xf32>,
      %mul3A_78 = arith.mulf %gather3A_76, %gather3A_77 : vector<16xf32>
      %add3A_79 = arith.addf %add3A_69, %mul3A_78 : vector<16xf32>
      %mul3A_80 = arith.mulf %gather3A_76, %gather3A_76 : vector<16xf32>
      %add3A_81 = arith.addf %add3A_71, %mul3A_80 : vector<16xf32>
      %mul3A_82 = arith.mulf %gather3A_77, %gather3A_77 : vector<16xf32>
      %add3A_83 = arith.addf %add3A_73, %mul3A_82 : vector<16xf32>
      %broadcast_in_dim3A_84 = arith.constant 5 : i32
      %broadcast_in_dim3A_85 = vector.broadcast %broadcast_in_dim3A_84 : i32 to vector<16xi32>
      %gather3A_86 = tpu.vector_load_idx %arg11[%add3A_29, %broadcast_in_dim3A_85] : memref<512x32xf32, #tpu.memory_space<vmem>>[vector<16xi32>, vector<16xi32>], vector<16xf32>,
      %gather3A_87 = tpu.vector_load_idx %arg12[%add3A_29, %broadcast_in_dim3A_85] : memref<512x32xf32, #tpu.memory_space<vmem>>[vector<16xi32>, vector<16xi32>], vector<16xf32>,
      %mul3A_88 = arith.mulf %gather3A_86, %gather3A_87 : vector<16xf32>
      %add3A_89 = arith.addf %add3A_79, %mul3A_88 : vector<16xf32>
      %mul3A_90 = arith.mulf %gather3A_86, %gather3A_86 : vector<16xf32>
      %add3A_91 = arith.addf %add3A_81, %mul3A_90 : vector<16xf32>
      %mul3A_92 = arith.mulf %gather3A_87, %gather3A_87 : vector<16xf32>
      %add3A_93 = arith.addf %add3A_83, %mul3A_92 : vector<16xf32>
      %broadcast_in_dim3A_94 = arith.constant 6 : i32
      %broadcast_in_dim3A_95 = vector.broadcast %broadcast_in_dim3A_94 : i32 to vector<16xi32>
      %gather3A_96 = tpu.vector_load_idx %arg11[%add3A_29, %broadcast_in_dim3A_95] : memref<512x32xf32, #tpu.memory_space<vmem>>[vector<16xi32>, vector<16xi32>], vector<16xf32>,
      %gather3A_97 = tpu.vector_load_idx %arg12[%add3A_29, %broadcast_in_dim3A_95] : memref<512x32xf32, #tpu.memory_space<vmem>>[vector<16xi32>, vector<16xi32>], vector<16xf32>,
      %mul3A_98 = arith.mulf %gather3A_96, %gather3A_97 : vector<16xf32>
      %add3A_99 = arith.addf %add3A_89, %mul3A_98 : vector<16xf32>
      %mul3A_100 = arith.mulf %gather3A_96, %gather3A_96 : vector<16xf32>
      %add3A_101 = arith.addf %add3A_91, %mul3A_100 : vector<16xf32>
      %mul3A_102 = arith.mulf %gather3A_97, %gather3A_97 : vector<16xf32>
      %add3A_103 = arith.addf %add3A_93, %mul3A_102 : vector<16xf32>
      %broadcast_in_dim3A_104 = arith.constant 7 : i32
      %broadcast_in_dim3A_105 = vector.broadcast %broadcast_in_dim3A_104 : i32 to vector<16xi32>
      %gather3A_106 = tpu.vector_load_idx %arg11[%add3A_29, %broadcast_in_dim3A_105] : memref<512x32xf32, #tpu.memory_space<vmem>>[vector<16xi32>, vector<16xi32>], vector<16xf32>,
      %gather3A_107 = tpu.vector_load_idx %arg12[%add3A_29, %broadcast_in_dim3A_105] : memref<512x32xf32, #tpu.memory_space<vmem>>[vector<16xi32>, vector<16xi32>], vector<16xf32>,
      %mul3A_108 = arith.mulf %gather3A_106, %gather3A_107 : vector<16xf32>
      %add3A_109 = arith.addf %add3A_99, %mul3A_108 : vector<16xf32>
      %mul3A_110 = arith.mulf %gather3A_106, %gather3A_106 : vector<16xf32>
      %add3A_111 = arith.addf %add3A_101, %mul3A_110 : vector<16xf32>
      %mul3A_112 = arith.mulf %gather3A_107, %gather3A_107 : vector<16xf32>
      %add3A_113 = arith.addf %add3A_103, %mul3A_112 : vector<16xf32>
      %broadcast_in_dim3A_114 = arith.constant 8 : i32
      %broadcast_in_dim3A_115 = vector.broadcast %broadcast_in_dim3A_114 : i32 to vector<16xi32>
      %gather3A_116 = tpu.vector_load_idx %arg11[%add3A_29, %broadcast_in_dim3A_115] : memref<512x32xf32, #tpu.memory_space<vmem>>[vector<16xi32>, vector<16xi32>], vector<16xf32>,
      %gather3A_117 = tpu.vector_load_idx %arg12[%add3A_29, %broadcast_in_dim3A_115] : memref<512x32xf32, #tpu.memory_space<vmem>>[vector<16xi32>, vector<16xi32>], vector<16xf32>,
      %mul3A_118 = arith.mulf %gather3A_116, %gather3A_117 : vector<16xf32>
      %add3A_119 = arith.addf %add3A_109, %mul3A_118 : vector<16xf32>
      %mul3A_120 = arith.mulf %gather3A_116, %gather3A_116 : vector<16xf32>
      %add3A_121 = arith.addf %add3A_111, %mul3A_120 : vector<16xf32>
      %mul3A_122 = arith.mulf %gather3A_117, %gather3A_117 : vector<16xf32>
      %add3A_123 = arith.addf %add3A_113, %mul3A_122 : vector<16xf32>
      %broadcast_in_dim3A_124 = arith.constant 9 : i32
      %broadcast_in_dim3A_125 = vector.broadcast %broadcast_in_dim3A_124 : i32 to vector<16xi32>
      %gather3A_126 = tpu.vector_load_idx %arg11[%add3A_29, %broadcast_in_dim3A_125] : memref<512x32xf32, #tpu.memory_space<vmem>>[vector<16xi32>, vector<16xi32>], vector<16xf32>,
      %gather3A_127 = tpu.vector_load_idx %arg12[%add3A_29, %broadcast_in_dim3A_125] : memref<512x32xf32, #tpu.memory_space<vmem>>[vector<16xi32>, vector<16xi32>], vector<16xf32>,
      %mul3A_128 = arith.mulf %gather3A_126, %gather3A_127 : vector<16xf32>
      %add3A_129 = arith.addf %add3A_119, %mul3A_128 : vector<16xf32>
      %mul3A_130 = arith.mulf %gather3A_126, %gather3A_126 : vector<16xf32>
      %add3A_131 = arith.addf %add3A_121, %mul3A_130 : vector<16xf32>
      %mul3A_132 = arith.mulf %gather3A_127, %gather3A_127 : vector<16xf32>
      %add3A_133 = arith.addf %add3A_123, %mul3A_132 : vector<16xf32>
      %broadcast_in_dim3A_134 = arith.constant 10 : i32
      %broadcast_in_dim3A_135 = vector.broadcast %broadcast_in_dim3A_134 : i32 to vector<16xi32>
      %gather3A_136 = tpu.vector_load_idx %arg11[%add3A_29, %broadcast_in_dim3A_135] : memref<512x32xf32, #tpu.memory_space<vmem>>[vector<16xi32>, vector<16xi32>], vector<16xf32>,
      %gather3A_137 = tpu.vector_load_idx %arg12[%add3A_29, %broadcast_in_dim3A_135] : memref<512x32xf32, #tpu.memory_space<vmem>>[vector<16xi32>, vector<16xi32>], vector<16xf32>,
      %mul3A_138 = arith.mulf %gather3A_136, %gather3A_137 : vector<16xf32>
      %add3A_139 = arith.addf %add3A_129, %mul3A_138 : vector<16xf32>
      %mul3A_140 = arith.mulf %gather3A_136, %gather3A_136 : vector<16xf32>
      %add3A_141 = arith.addf %add3A_131, %mul3A_140 : vector<16xf32>
      %mul3A_142 = arith.mulf %gather3A_137, %gather3A_137 : vector<16xf32>
      %add3A_143 = arith.addf %add3A_133, %mul3A_142 : vector<16xf32>
      %broadcast_in_dim3A_144 = arith.constant 11 : i32
      %broadcast_in_dim3A_145 = vector.broadcast %broadcast_in_dim3A_144 : i32 to vector<16xi32>
      %gather3A_146 = tpu.vector_load_idx %arg11[%add3A_29, %broadcast_in_dim3A_145] : memref<512x32xf32, #tpu.memory_space<vmem>>[vector<16xi32>, vector<16xi32>], vector<16xf32>,
      %gather3A_147 = tpu.vector_load_idx %arg12[%add3A_29, %broadcast_in_dim3A_145] : memref<512x32xf32, #tpu.memory_space<vmem>>[vector<16xi32>, vector<16xi32>], vector<16xf32>,
      %mul3A_148 = arith.mulf %gather3A_146, %gather3A_147 : vector<16xf32>
      %add3A_149 = arith.addf %add3A_139, %mul3A_148 : vector<16xf32>
      %mul3A_150 = arith.mulf %gather3A_146, %gather3A_146 : vector<16xf32>
      %add3A_151 = arith.addf %add3A_141, %mul3A_150 : vector<16xf32>
      %mul3A_152 = arith.mulf %gather3A_147, %gather3A_147 : vector<16xf32>
      %add3A_153 = arith.addf %add3A_143, %mul3A_152 : vector<16xf32>
      %broadcast_in_dim3A_154 = arith.constant 12 : i32
      %broadcast_in_dim3A_155 = vector.broadcast %broadcast_in_dim3A_154 : i32 to vector<16xi32>
      %gather3A_156 = tpu.vector_load_idx %arg11[%add3A_29, %broadcast_in_dim3A_155] : memref<512x32xf32, #tpu.memory_space<vmem>>[vector<16xi32>, vector<16xi32>], vector<16xf32>,
      %gather3A_157 = tpu.vector_load_idx %arg12[%add3A_29, %broadcast_in_dim3A_155] : memref<512x32xf32, #tpu.memory_space<vmem>>[vector<16xi32>, vector<16xi32>], vector<16xf32>,
      %mul3A_158 = arith.mulf %gather3A_156, %gather3A_157 : vector<16xf32>
      %add3A_159 = arith.addf %add3A_149, %mul3A_158 : vector<16xf32>
      %mul3A_160 = arith.mulf %gather3A_156, %gather3A_156 : vector<16xf32>
      %add3A_161 = arith.addf %add3A_151, %mul3A_160 : vector<16xf32>
      %mul3A_162 = arith.mulf %gather3A_157, %gather3A_157 : vector<16xf32>
      %add3A_163 = arith.addf %add3A_153, %mul3A_162 : vector<16xf32>
      %broadcast_in_dim3A_164 = arith.constant 13 : i32
      %broadcast_in_dim3A_165 = vector.broadcast %broadcast_in_dim3A_164 : i32 to vector<16xi32>
      %gather3A_166 = tpu.vector_load_idx %arg11[%add3A_29, %broadcast_in_dim3A_165] : memref<512x32xf32, #tpu.memory_space<vmem>>[vector<16xi32>, vector<16xi32>], vector<16xf32>,
      %gather3A_167 = tpu.vector_load_idx %arg12[%add3A_29, %broadcast_in_dim3A_165] : memref<512x32xf32, #tpu.memory_space<vmem>>[vector<16xi32>, vector<16xi32>], vector<16xf32>,
      %mul3A_168 = arith.mulf %gather3A_166, %gather3A_167 : vector<16xf32>
      %add3A_169 = arith.addf %add3A_159, %mul3A_168 : vector<16xf32>
      %mul3A_170 = arith.mulf %gather3A_166, %gather3A_166 : vector<16xf32>
      %add3A_171 = arith.addf %add3A_161, %mul3A_170 : vector<16xf32>
      %mul3A_172 = arith.mulf %gather3A_167, %gather3A_167 : vector<16xf32>
      %add3A_173 = arith.addf %add3A_163, %mul3A_172 : vector<16xf32>
      %broadcast_in_dim3A_174 = arith.constant 14 : i32
      %broadcast_in_dim3A_175 = vector.broadcast %broadcast_in_dim3A_174 : i32 to vector<16xi32>
      %gather3A_176 = tpu.vector_load_idx %arg11[%add3A_29, %broadcast_in_dim3A_175] : memref<512x32xf32, #tpu.memory_space<vmem>>[vector<16xi32>, vector<16xi32>], vector<16xf32>,
      %gather3A_177 = tpu.vector_load_idx %arg12[%add3A_29, %broadcast_in_dim3A_175] : memref<512x32xf32, #tpu.memory_space<vmem>>[vector<16xi32>, vector<16xi32>], vector<16xf32>,
      %mul3A_178 = arith.mulf %gather3A_176, %gather3A_177 : vector<16xf32>
      %add3A_179 = arith.addf %add3A_169, %mul3A_178 : vector<16xf32>
      %mul3A_180 = arith.mulf %gather3A_176, %gather3A_176 : vector<16xf32>
      %add3A_181 = arith.addf %add3A_171, %mul3A_180 : vector<16xf32>
      %mul3A_182 = arith.mulf %gather3A_177, %gather3A_177 : vector<16xf32>
      %add3A_183 = arith.addf %add3A_173, %mul3A_182 : vector<16xf32>
      %broadcast_in_dim3A_184 = arith.constant 15 : i32
      %broadcast_in_dim3A_185 = vector.broadcast %broadcast_in_dim3A_184 : i32 to vector<16xi32>
      %gather3A_186 = tpu.vector_load_idx %arg11[%add3A_29, %broadcast_in_dim3A_185] : memref<512x32xf32, #tpu.memory_space<vmem>>[vector<16xi32>, vector<16xi32>], vector<16xf32>,
      %gather3A_187 = tpu.vector_load_idx %arg12[%add3A_29, %broadcast_in_dim3A_185] : memref<512x32xf32, #tpu.memory_space<vmem>>[vector<16xi32>, vector<16xi32>], vector<16xf32>,
      %mul3A_188 = arith.mulf %gather3A_186, %gather3A_187 : vector<16xf32>
      %add3A_189 = arith.addf %add3A_179, %mul3A_188 : vector<16xf32>
      %mul3A_190 = arith.mulf %gather3A_186, %gather3A_186 : vector<16xf32>
      %add3A_191 = arith.addf %add3A_181, %mul3A_190 : vector<16xf32>
      %mul3A_192 = arith.mulf %gather3A_187, %gather3A_187 : vector<16xf32>
      %add3A_193 = arith.addf %add3A_183, %mul3A_192 : vector<16xf32>
      %broadcast_in_dim3A_194 = arith.constant 16 : i32
      %broadcast_in_dim3A_195 = vector.broadcast %broadcast_in_dim3A_194 : i32 to vector<16xi32>
      %gather3A_196 = tpu.vector_load_idx %arg11[%add3A_29, %broadcast_in_dim3A_195] : memref<512x32xf32, #tpu.memory_space<vmem>>[vector<16xi32>, vector<16xi32>], vector<16xf32>,
      %gather3A_197 = tpu.vector_load_idx %arg12[%add3A_29, %broadcast_in_dim3A_195] : memref<512x32xf32, #tpu.memory_space<vmem>>[vector<16xi32>, vector<16xi32>], vector<16xf32>,
      %mul3A_198 = arith.mulf %gather3A_196, %gather3A_197 : vector<16xf32>
      %add3A_199 = arith.addf %add3A_189, %mul3A_198 : vector<16xf32>
      %mul3A_200 = arith.mulf %gather3A_196, %gather3A_196 : vector<16xf32>
      %add3A_201 = arith.addf %add3A_191, %mul3A_200 : vector<16xf32>
      %mul3A_202 = arith.mulf %gather3A_197, %gather3A_197 : vector<16xf32>
      %add3A_203 = arith.addf %add3A_193, %mul3A_202 : vector<16xf32>
      %broadcast_in_dim3A_204 = arith.constant 17 : i32
      %broadcast_in_dim3A_205 = vector.broadcast %broadcast_in_dim3A_204 : i32 to vector<16xi32>
      %gather3A_206 = tpu.vector_load_idx %arg11[%add3A_29, %broadcast_in_dim3A_205] : memref<512x32xf32, #tpu.memory_space<vmem>>[vector<16xi32>, vector<16xi32>], vector<16xf32>,
      %gather3A_207 = tpu.vector_load_idx %arg12[%add3A_29, %broadcast_in_dim3A_205] : memref<512x32xf32, #tpu.memory_space<vmem>>[vector<16xi32>, vector<16xi32>], vector<16xf32>,
      %mul3A_208 = arith.mulf %gather3A_206, %gather3A_207 : vector<16xf32>
      %add3A_209 = arith.addf %add3A_199, %mul3A_208 : vector<16xf32>
      %mul3A_210 = arith.mulf %gather3A_206, %gather3A_206 : vector<16xf32>
      %add3A_211 = arith.addf %add3A_201, %mul3A_210 : vector<16xf32>
      %mul3A_212 = arith.mulf %gather3A_207, %gather3A_207 : vector<16xf32>
      %add3A_213 = arith.addf %add3A_203, %mul3A_212 : vector<16xf32>
      %broadcast_in_dim3A_214 = arith.constant 18 : i32
      %broadcast_in_dim3A_215 = vector.broadcast %broadcast_in_dim3A_214 : i32 to vector<16xi32>
      %gather3A_216 = tpu.vector_load_idx %arg11[%add3A_29, %broadcast_in_dim3A_215] : memref<512x32xf32, #tpu.memory_space<vmem>>[vector<16xi32>, vector<16xi32>], vector<16xf32>,
      %gather3A_217 = tpu.vector_load_idx %arg12[%add3A_29, %broadcast_in_dim3A_215] : memref<512x32xf32, #tpu.memory_space<vmem>>[vector<16xi32>, vector<16xi32>], vector<16xf32>,
      %mul3A_218 = arith.mulf %gather3A_216, %gather3A_217 : vector<16xf32>
      %add3A_219 = arith.addf %add3A_209, %mul3A_218 : vector<16xf32>
      %mul3A_220 = arith.mulf %gather3A_216, %gather3A_216 : vector<16xf32>
      %add3A_221 = arith.addf %add3A_211, %mul3A_220 : vector<16xf32>
      %mul3A_222 = arith.mulf %gather3A_217, %gather3A_217 : vector<16xf32>
      %add3A_223 = arith.addf %add3A_213, %mul3A_222 : vector<16xf32>
      %broadcast_in_dim3A_224 = arith.constant 19 : i32
      %broadcast_in_dim3A_225 = vector.broadcast %broadcast_in_dim3A_224 : i32 to vector<16xi32>
      %gather3A_226 = tpu.vector_load_idx %arg11[%add3A_29, %broadcast_in_dim3A_225] : memref<512x32xf32, #tpu.memory_space<vmem>>[vector<16xi32>, vector<16xi32>], vector<16xf32>,
      %gather3A_227 = tpu.vector_load_idx %arg12[%add3A_29, %broadcast_in_dim3A_225] : memref<512x32xf32, #tpu.memory_space<vmem>>[vector<16xi32>, vector<16xi32>], vector<16xf32>,
      %mul3A_228 = arith.mulf %gather3A_226, %gather3A_227 : vector<16xf32>
      %add3A_229 = arith.addf %add3A_219, %mul3A_228 : vector<16xf32>
      %mul3A_230 = arith.mulf %gather3A_226, %gather3A_226 : vector<16xf32>
      %add3A_231 = arith.addf %add3A_221, %mul3A_230 : vector<16xf32>
      %mul3A_232 = arith.mulf %gather3A_227, %gather3A_227 : vector<16xf32>
      %add3A_233 = arith.addf %add3A_223, %mul3A_232 : vector<16xf32>
      %broadcast_in_dim3A_234 = arith.constant 20 : i32
      %broadcast_in_dim3A_235 = vector.broadcast %broadcast_in_dim3A_234 : i32 to vector<16xi32>
      %gather3A_236 = tpu.vector_load_idx %arg11[%add3A_29, %broadcast_in_dim3A_235] : memref<512x32xf32, #tpu.memory_space<vmem>>[vector<16xi32>, vector<16xi32>], vector<16xf32>,
      %gather3A_237 = tpu.vector_load_idx %arg12[%add3A_29, %broadcast_in_dim3A_235] : memref<512x32xf32, #tpu.memory_space<vmem>>[vector<16xi32>, vector<16xi32>], vector<16xf32>,
      %mul3A_238 = arith.mulf %gather3A_236, %gather3A_237 : vector<16xf32>
      %add3A_239 = arith.addf %add3A_229, %mul3A_238 : vector<16xf32>
      %mul3A_240 = arith.mulf %gather3A_236, %gather3A_236 : vector<16xf32>
      %add3A_241 = arith.addf %add3A_231, %mul3A_240 : vector<16xf32>
      %mul3A_242 = arith.mulf %gather3A_237, %gather3A_237 : vector<16xf32>
      %add3A_243 = arith.addf %add3A_233, %mul3A_242 : vector<16xf32>
      %broadcast_in_dim3A_244 = arith.constant 21 : i32
      %broadcast_in_dim3A_245 = vector.broadcast %broadcast_in_dim3A_244 : i32 to vector<16xi32>
      %gather3A_246 = tpu.vector_load_idx %arg11[%add3A_29, %broadcast_in_dim3A_245] : memref<512x32xf32, #tpu.memory_space<vmem>>[vector<16xi32>, vector<16xi32>], vector<16xf32>,
      %gather3A_247 = tpu.vector_load_idx %arg12[%add3A_29, %broadcast_in_dim3A_245] : memref<512x32xf32, #tpu.memory_space<vmem>>[vector<16xi32>, vector<16xi32>], vector<16xf32>,
      %mul3A_248 = arith.mulf %gather3A_246, %gather3A_247 : vector<16xf32>
      %add3A_249 = arith.addf %add3A_239, %mul3A_248 : vector<16xf32>
      %mul3A_250 = arith.mulf %gather3A_246, %gather3A_246 : vector<16xf32>
      %add3A_251 = arith.addf %add3A_241, %mul3A_250 : vector<16xf32>
      %mul3A_252 = arith.mulf %gather3A_247, %gather3A_247 : vector<16xf32>
      %add3A_253 = arith.addf %add3A_243, %mul3A_252 : vector<16xf32>
      %broadcast_in_dim3A_254 = arith.constant 22 : i32
      %broadcast_in_dim3A_255 = vector.broadcast %broadcast_in_dim3A_254 : i32 to vector<16xi32>
      %gather3A_256 = tpu.vector_load_idx %arg11[%add3A_29, %broadcast_in_dim3A_255] : memref<512x32xf32, #tpu.memory_space<vmem>>[vector<16xi32>, vector<16xi32>], vector<16xf32>,
      %gather3A_257 = tpu.vector_load_idx %arg12[%add3A_29, %broadcast_in_dim3A_255] : memref<512x32xf32, #tpu.memory_space<vmem>>[vector<16xi32>, vector<16xi32>], vector<16xf32>,
      %mul3A_258 = arith.mulf %gather3A_256, %gather3A_257 : vector<16xf32>
      %add3A_259 = arith.addf %add3A_249, %mul3A_258 : vector<16xf32>
      %mul3A_260 = arith.mulf %gather3A_256, %gather3A_256 : vector<16xf32>
      %add3A_261 = arith.addf %add3A_251, %mul3A_260 : vector<16xf32>
      %mul3A_262 = arith.mulf %gather3A_257, %gather3A_257 : vector<16xf32>
      %add3A_263 = arith.addf %add3A_253, %mul3A_262 : vector<16xf32>
      %broadcast_in_dim3A_264 = arith.constant 23 : i32
      %broadcast_in_dim3A_265 = vector.broadcast %broadcast_in_dim3A_264 : i32 to vector<16xi32>
      %gather3A_266 = tpu.vector_load_idx %arg11[%add3A_29, %broadcast_in_dim3A_265] : memref<512x32xf32, #tpu.memory_space<vmem>>[vector<16xi32>, vector<16xi32>], vector<16xf32>,
      %gather3A_267 = tpu.vector_load_idx %arg12[%add3A_29, %broadcast_in_dim3A_265] : memref<512x32xf32, #tpu.memory_space<vmem>>[vector<16xi32>, vector<16xi32>], vector<16xf32>,
      %mul3A_268 = arith.mulf %gather3A_266, %gather3A_267 : vector<16xf32>
      %add3A_269 = arith.addf %add3A_259, %mul3A_268 : vector<16xf32>
      %mul3A_270 = arith.mulf %gather3A_266, %gather3A_266 : vector<16xf32>
      %add3A_271 = arith.addf %add3A_261, %mul3A_270 : vector<16xf32>
      %mul3A_272 = arith.mulf %gather3A_267, %gather3A_267 : vector<16xf32>
      %add3A_273 = arith.addf %add3A_263, %mul3A_272 : vector<16xf32>
      %broadcast_in_dim3A_274 = arith.constant 24 : i32
      %broadcast_in_dim3A_275 = vector.broadcast %broadcast_in_dim3A_274 : i32 to vector<16xi32>
      %gather3A_276 = tpu.vector_load_idx %arg11[%add3A_29, %broadcast_in_dim3A_275] : memref<512x32xf32, #tpu.memory_space<vmem>>[vector<16xi32>, vector<16xi32>], vector<16xf32>,
      %gather3A_277 = tpu.vector_load_idx %arg12[%add3A_29, %broadcast_in_dim3A_275] : memref<512x32xf32, #tpu.memory_space<vmem>>[vector<16xi32>, vector<16xi32>], vector<16xf32>,
      %mul3A_278 = arith.mulf %gather3A_276, %gather3A_277 : vector<16xf32>
      %add3A_279 = arith.addf %add3A_269, %mul3A_278 : vector<16xf32>
      %mul3A_280 = arith.mulf %gather3A_276, %gather3A_276 : vector<16xf32>
      %add3A_281 = arith.addf %add3A_271, %mul3A_280 : vector<16xf32>
      %mul3A_282 = arith.mulf %gather3A_277, %gather3A_277 : vector<16xf32>
      %add3A_283 = arith.addf %add3A_273, %mul3A_282 : vector<16xf32>
      %broadcast_in_dim3A_284 = arith.constant 25 : i32
      %broadcast_in_dim3A_285 = vector.broadcast %broadcast_in_dim3A_284 : i32 to vector<16xi32>
      %gather3A_286 = tpu.vector_load_idx %arg11[%add3A_29, %broadcast_in_dim3A_285] : memref<512x32xf32, #tpu.memory_space<vmem>>[vector<16xi32>, vector<16xi32>], vector<16xf32>,
      %gather3A_287 = tpu.vector_load_idx %arg12[%add3A_29, %broadcast_in_dim3A_285] : memref<512x32xf32, #tpu.memory_space<vmem>>[vector<16xi32>, vector<16xi32>], vector<16xf32>,
      %mul3A_288 = arith.mulf %gather3A_286, %gather3A_287 : vector<16xf32>
      %add3A_289 = arith.addf %add3A_279, %mul3A_288 : vector<16xf32>
      %mul3A_290 = arith.mulf %gather3A_286, %gather3A_286 : vector<16xf32>
      %add3A_291 = arith.addf %add3A_281, %mul3A_290 : vector<16xf32>
      %mul3A_292 = arith.mulf %gather3A_287, %gather3A_287 : vector<16xf32>
      %add3A_293 = arith.addf %add3A_283, %mul3A_292 : vector<16xf32>
      %broadcast_in_dim3A_294 = arith.constant 26 : i32
      %broadcast_in_dim3A_295 = vector.broadcast %broadcast_in_dim3A_294 : i32 to vector<16xi32>
      %gather3A_296 = tpu.vector_load_idx %arg11[%add3A_29, %broadcast_in_dim3A_295] : memref<512x32xf32, #tpu.memory_space<vmem>>[vector<16xi32>, vector<16xi32>], vector<16xf32>,
      %gather3A_297 = tpu.vector_load_idx %arg12[%add3A_29, %broadcast_in_dim3A_295] : memref<512x32xf32, #tpu.memory_space<vmem>>[vector<16xi32>, vector<16xi32>], vector<16xf32>,
      %mul3A_298 = arith.mulf %gather3A_296, %gather3A_297 : vector<16xf32>
      %add3A_299 = arith.addf %add3A_289, %mul3A_298 : vector<16xf32>
      %mul3A_300 = arith.mulf %gather3A_296, %gather3A_296 : vector<16xf32>
      %add3A_301 = arith.addf %add3A_291, %mul3A_300 : vector<16xf32>
      %mul3A_302 = arith.mulf %gather3A_297, %gather3A_297 : vector<16xf32>
      %add3A_303 = arith.addf %add3A_293, %mul3A_302 : vector<16xf32>
      %broadcast_in_dim3A_304 = arith.constant 27 : i32
      %broadcast_in_dim3A_305 = vector.broadcast %broadcast_in_dim3A_304 : i32 to vector<16xi32>
      %gather3A_306 = tpu.vector_load_idx %arg11[%add3A_29, %broadcast_in_dim3A_305] : memref<512x32xf32, #tpu.memory_space<vmem>>[vector<16xi32>, vector<16xi32>], vector<16xf32>,
      %gather3A_307 = tpu.vector_load_idx %arg12[%add3A_29, %broadcast_in_dim3A_305] : memref<512x32xf32, #tpu.memory_space<vmem>>[vector<16xi32>, vector<16xi32>], vector<16xf32>,
      %mul3A_308 = arith.mulf %gather3A_306, %gather3A_307 : vector<16xf32>
      %add3A_309 = arith.addf %add3A_299, %mul3A_308 : vector<16xf32>
      %mul3A_310 = arith.mulf %gather3A_306, %gather3A_306 : vector<16xf32>
      %add3A_311 = arith.addf %add3A_301, %mul3A_310 : vector<16xf32>
      %mul3A_312 = arith.mulf %gather3A_307, %gather3A_307 : vector<16xf32>
      %add3A_313 = arith.addf %add3A_303, %mul3A_312 : vector<16xf32>
      %broadcast_in_dim3A_314 = arith.constant 28 : i32
      %broadcast_in_dim3A_315 = vector.broadcast %broadcast_in_dim3A_314 : i32 to vector<16xi32>
      %gather3A_316 = tpu.vector_load_idx %arg11[%add3A_29, %broadcast_in_dim3A_315] : memref<512x32xf32, #tpu.memory_space<vmem>>[vector<16xi32>, vector<16xi32>], vector<16xf32>,
      %gather3A_317 = tpu.vector_load_idx %arg12[%add3A_29, %broadcast_in_dim3A_315] : memref<512x32xf32, #tpu.memory_space<vmem>>[vector<16xi32>, vector<16xi32>], vector<16xf32>,
      %mul3A_318 = arith.mulf %gather3A_316, %gather3A_317 : vector<16xf32>
      %add3A_319 = arith.addf %add3A_309, %mul3A_318 : vector<16xf32>
      %mul3A_320 = arith.mulf %gather3A_316, %gather3A_316 : vector<16xf32>
      %add3A_321 = arith.addf %add3A_311, %mul3A_320 : vector<16xf32>
      %mul3A_322 = arith.mulf %gather3A_317, %gather3A_317 : vector<16xf32>
      %add3A_323 = arith.addf %add3A_313, %mul3A_322 : vector<16xf32>
      %broadcast_in_dim3A_324 = arith.constant 29 : i32
      %broadcast_in_dim3A_325 = vector.broadcast %broadcast_in_dim3A_324 : i32 to vector<16xi32>
      %gather3A_326 = tpu.vector_load_idx %arg11[%add3A_29, %broadcast_in_dim3A_325] : memref<512x32xf32, #tpu.memory_space<vmem>>[vector<16xi32>, vector<16xi32>], vector<16xf32>,
      %gather3A_327 = tpu.vector_load_idx %arg12[%add3A_29, %broadcast_in_dim3A_325] : memref<512x32xf32, #tpu.memory_space<vmem>>[vector<16xi32>, vector<16xi32>], vector<16xf32>,
      %mul3A_328 = arith.mulf %gather3A_326, %gather3A_327 : vector<16xf32>
      %add3A_329 = arith.addf %add3A_319, %mul3A_328 : vector<16xf32>
      %mul3A_330 = arith.mulf %gather3A_326, %gather3A_326 : vector<16xf32>
      %add3A_331 = arith.addf %add3A_321, %mul3A_330 : vector<16xf32>
      %mul3A_332 = arith.mulf %gather3A_327, %gather3A_327 : vector<16xf32>
      %add3A_333 = arith.addf %add3A_323, %mul3A_332 : vector<16xf32>
      %broadcast_in_dim3A_334 = arith.constant 30 : i32
      %broadcast_in_dim3A_335 = vector.broadcast %broadcast_in_dim3A_334 : i32 to vector<16xi32>
      %gather3A_336 = tpu.vector_load_idx %arg11[%add3A_29, %broadcast_in_dim3A_335] : memref<512x32xf32, #tpu.memory_space<vmem>>[vector<16xi32>, vector<16xi32>], vector<16xf32>,
      %gather3A_337 = tpu.vector_load_idx %arg12[%add3A_29, %broadcast_in_dim3A_335] : memref<512x32xf32, #tpu.memory_space<vmem>>[vector<16xi32>, vector<16xi32>], vector<16xf32>,
      %mul3A_338 = arith.mulf %gather3A_336, %gather3A_337 : vector<16xf32>
      %add3A_339 = arith.addf %add3A_329, %mul3A_338 : vector<16xf32>
      %mul3A_340 = arith.mulf %gather3A_336, %gather3A_336 : vector<16xf32>
      %add3A_341 = arith.addf %add3A_331, %mul3A_340 : vector<16xf32>
      %mul3A_342 = arith.mulf %gather3A_337, %gather3A_337 : vector<16xf32>
      %add3A_343 = arith.addf %add3A_333, %mul3A_342 : vector<16xf32>
      %broadcast_in_dim3A_344 = arith.constant 31 : i32
      %broadcast_in_dim3A_345 = vector.broadcast %broadcast_in_dim3A_344 : i32 to vector<16xi32>
      %gather3A_346 = tpu.vector_load_idx %arg11[%add3A_29, %broadcast_in_dim3A_345] : memref<512x32xf32, #tpu.memory_space<vmem>>[vector<16xi32>, vector<16xi32>], vector<16xf32>,
      %gather3A_347 = tpu.vector_load_idx %arg12[%add3A_29, %broadcast_in_dim3A_345] : memref<512x32xf32, #tpu.memory_space<vmem>>[vector<16xi32>, vector<16xi32>], vector<16xf32>,
      %mul3A_348 = arith.mulf %gather3A_346, %gather3A_347 : vector<16xf32>
      %add3A_349 = arith.addf %add3A_339, %mul3A_348 : vector<16xf32>
      %mul3A_350 = arith.mulf %gather3A_346, %gather3A_346 : vector<16xf32>
      %add3A_351 = arith.addf %add3A_341, %mul3A_350 : vector<16xf32>
      %mul3A_352 = arith.mulf %gather3A_347, %gather3A_347 : vector<16xf32>
      %add3A_353 = arith.addf %add3A_343, %mul3A_352 : vector<16xf32>
      %max3A = arith.constant 1.000000e-24 : f32
      %max3A_354 = vector.broadcast %max3A : f32 to vector<16xf32>
      %max3A_355 = arith.maximumf %add3A_351, %max3A_354 : vector<16xf32>
      %max3A_356 = arith.constant 1.000000e-24 : f32
      %max3A_357 = vector.broadcast %max3A_356 : f32 to vector<16xf32>
      %max3A_358 = arith.maximumf %add3A_353, %max3A_357 : vector<16xf32>
      %bitcast3A = vector.bitcast %max3A_355 : vector<16xf32> to vector<16xi32>
      %shift_right_arithmetic3A = arith.constant 1 : i32
      %shift_right_arithmetic3A_359 = vector.broadcast %shift_right_arithmetic3A : i32 to vector<16xi32>
      %shift_right_arithmetic3A_360 = arith.shrsi %bitcast3A, %shift_right_arithmetic3A_359 : vector<16xi32>
      %sub3A = arith.constant 1597463007 : i32
      %sub3A_361 = vector.broadcast %sub3A : i32 to vector<16xi32>
      %sub3A_362 = arith.subi %sub3A_361, %shift_right_arithmetic3A_360 : vector<16xi32>
      %bitcast3A_363 = vector.bitcast %sub3A_362 : vector<16xi32> to vector<16xf32>
      %mul3A_364 = arith.constant 5.000000e-01 : f32
      %mul3A_365 = vector.broadcast %mul3A_364 : f32 to vector<16xf32>
      %mul3A_366 = arith.mulf %mul3A_365, %max3A_355 : vector<16xf32>
      %mul3A_367 = arith.mulf %mul3A_366, %bitcast3A_363 : vector<16xf32>
      %mul3A_368 = arith.mulf %mul3A_367, %bitcast3A_363 : vector<16xf32>
      %sub3A_369 = arith.constant 1.500000e+00 : f32
      %sub3A_370 = vector.broadcast %sub3A_369 : f32 to vector<16xf32>
      %sub3A_371 = arith.subf %sub3A_370, %mul3A_368 : vector<16xf32>
      %mul3A_372 = arith.mulf %bitcast3A_363, %sub3A_371 : vector<16xf32>
      %mul3A_373 = arith.constant 5.000000e-01 : f32
      %mul3A_374 = vector.broadcast %mul3A_373 : f32 to vector<16xf32>
      %mul3A_375 = arith.mulf %mul3A_374, %max3A_355 : vector<16xf32>
      %mul3A_376 = arith.mulf %mul3A_375, %mul3A_372 : vector<16xf32>
      %mul3A_377 = arith.mulf %mul3A_376, %mul3A_372 : vector<16xf32>
      %sub3A_378 = arith.constant 1.500000e+00 : f32
      %sub3A_379 = vector.broadcast %sub3A_378 : f32 to vector<16xf32>
      %sub3A_380 = arith.subf %sub3A_379, %mul3A_377 : vector<16xf32>
      %mul3A_381 = arith.mulf %mul3A_372, %sub3A_380 : vector<16xf32>
      %mul3A_382 = arith.constant 5.000000e-01 : f32
      %mul3A_383 = vector.broadcast %mul3A_382 : f32 to vector<16xf32>
      %mul3A_384 = arith.mulf %mul3A_383, %max3A_355 : vector<16xf32>
      %mul3A_385 = arith.mulf %mul3A_384, %mul3A_381 : vector<16xf32>
      %mul3A_386 = arith.mulf %mul3A_385, %mul3A_381 : vector<16xf32>
      %sub3A_387 = arith.constant 1.500000e+00 : f32
      %sub3A_388 = vector.broadcast %sub3A_387 : f32 to vector<16xf32>
      %sub3A_389 = arith.subf %sub3A_388, %mul3A_386 : vector<16xf32>
      %mul3A_390 = arith.mulf %mul3A_381, %sub3A_389 : vector<16xf32>
      %bitcast3A_391 = vector.bitcast %max3A_358 : vector<16xf32> to vector<16xi32>
      %shift_right_arithmetic3A_392 = arith.constant 1 : i32
      %shift_right_arithmetic3A_393 = vector.broadcast %shift_right_arithmetic3A_392 : i32 to vector<16xi32>
      %shift_right_arithmetic3A_394 = arith.shrsi %bitcast3A_391, %shift_right_arithmetic3A_393 : vector<16xi32>
      %sub3A_395 = arith.constant 1597463007 : i32
      %sub3A_396 = vector.broadcast %sub3A_395 : i32 to vector<16xi32>
      %sub3A_397 = arith.subi %sub3A_396, %shift_right_arithmetic3A_394 : vector<16xi32>
      %bitcast3A_398 = vector.bitcast %sub3A_397 : vector<16xi32> to vector<16xf32>
      %mul3A_399 = arith.constant 5.000000e-01 : f32
      %mul3A_400 = vector.broadcast %mul3A_399 : f32 to vector<16xf32>
      %mul3A_401 = arith.mulf %mul3A_400, %max3A_358 : vector<16xf32>
      %mul3A_402 = arith.mulf %mul3A_401, %bitcast3A_398 : vector<16xf32>
      %mul3A_403 = arith.mulf %mul3A_402, %bitcast3A_398 : vector<16xf32>
      %sub3A_404 = arith.constant 1.500000e+00 : f32
      %sub3A_405 = vector.broadcast %sub3A_404 : f32 to vector<16xf32>
      %sub3A_406 = arith.subf %sub3A_405, %mul3A_403 : vector<16xf32>
      %mul3A_407 = arith.mulf %bitcast3A_398, %sub3A_406 : vector<16xf32>
      %mul3A_408 = arith.constant 5.000000e-01 : f32
      %mul3A_409 = vector.broadcast %mul3A_408 : f32 to vector<16xf32>
      %mul3A_410 = arith.mulf %mul3A_409, %max3A_358 : vector<16xf32>
      %mul3A_411 = arith.mulf %mul3A_410, %mul3A_407 : vector<16xf32>
      %mul3A_412 = arith.mulf %mul3A_411, %mul3A_407 : vector<16xf32>
      %sub3A_413 = arith.constant 1.500000e+00 : f32
      %sub3A_414 = vector.broadcast %sub3A_413 : f32 to vector<16xf32>
      %sub3A_415 = arith.subf %sub3A_414, %mul3A_412 : vector<16xf32>
      %mul3A_416 = arith.mulf %mul3A_407, %sub3A_415 : vector<16xf32>
      %mul3A_417 = arith.constant 5.000000e-01 : f32
      %mul3A_418 = vector.broadcast %mul3A_417 : f32 to vector<16xf32>
      %mul3A_419 = arith.mulf %mul3A_418, %max3A_358 : vector<16xf32>
      %mul3A_420 = arith.mulf %mul3A_419, %mul3A_416 : vector<16xf32>
      %mul3A_421 = arith.mulf %mul3A_420, %mul3A_416 : vector<16xf32>
      %sub3A_422 = arith.constant 1.500000e+00 : f32
      %sub3A_423 = vector.broadcast %sub3A_422 : f32 to vector<16xf32>
      %sub3A_424 = arith.subf %sub3A_423, %mul3A_421 : vector<16xf32>
      %mul3A_425 = arith.mulf %mul3A_416, %sub3A_424 : vector<16xf32>
      %mul3A_426 = arith.mulf %max3A_355, %mul3A_390 : vector<16xf32>
      %mul3A_427 = arith.mulf %max3A_358, %mul3A_425 : vector<16xf32>
      %min3A = arith.constant 1.000000e+00 : f32
      %min3A_428 = vector.broadcast %min3A : f32 to vector<16xf32>
      %min3A_429 = arith.minimumf %min3A_428, %mul3A_390 : vector<16xf32>
      %min3A_430 = arith.constant 1.000000e+00 : f32
      %min3A_431 = vector.broadcast %min3A_430 : f32 to vector<16xf32>
      %min3A_432 = arith.minimumf %min3A_431, %mul3A_425 : vector<16xf32>
      %mul3A_433 = arith.mulf %mul3A_426, %min3A_429 : vector<16xf32>
      %mul3A_434 = arith.mulf %mul3A_433, %mul3A_427 : vector<16xf32>
      %mul3A_435 = arith.mulf %mul3A_434, %min3A_432 : vector<16xf32>
      %max3A_436 = arith.constant 9.99999993E-9 : f32
      %max3A_437 = vector.broadcast %max3A_436 : f32 to vector<16xf32>
      %max3A_438 = arith.maximumf %mul3A_435, %max3A_437 : vector<16xf32>
      %mul3A_439 = arith.mulf %add3A_349, %min3A_429 : vector<16xf32>
      %mul3A_440 = arith.mulf %mul3A_439, %min3A_432 : vector<16xf32>
      %div3A = arith.divf %mul3A_440, %max3A_438 : vector<16xf32>
      %get3A = arith.index_cast %mul3A_27 : i32 to index
      %get3A_441 = tpu.vector_load %arg13[%get3A] {strides = array<i32>} : memref<512xf32, #tpu.memory_space<vmem>>, vector<16xf32>,
      %get3A_442 = arith.index_cast %mul3A_27 : i32 to index
      %get3A_443 = tpu.vector_load %arg14[%get3A_442] {strides = array<i32>} : memref<512xf32, #tpu.memory_space<vmem>>, vector<16xf32>,
      %abs3A = math.absf %get3A_441 : vector<16xf32>
      %max3A_444 = arith.constant 1.000000e-07 : f32
      %max3A_445 = vector.broadcast %max3A_444 : f32 to vector<16xf32>
      %max3A_446 = arith.maximumf %abs3A, %max3A_445 : vector<16xf32>
      %div3A_447 = arith.constant 2.000000e+00 : f32
      %div3A_448 = vector.broadcast %div3A_447 : f32 to vector<16xf32>
      %div3A_449 = arith.divf %div3A_448, %max3A_446 : vector<16xf32>
      %min3A_450 = arith.constant 1.000000e+00 : f32
      %min3A_451 = vector.broadcast %min3A_450 : f32 to vector<16xf32>
      %min3A_452 = arith.minimumf %min3A_451, %div3A_449 : vector<16xf32>
      %mul3A_453 = arith.mulf %get3A_441, %min3A_452 : vector<16xf32>
      %abs3A_454 = math.absf %get3A_443 : vector<16xf32>
      %max3A_455 = arith.constant 1.000000e-07 : f32
      %max3A_456 = vector.broadcast %max3A_455 : f32 to vector<16xf32>
      %max3A_457 = arith.maximumf %abs3A_454, %max3A_456 : vector<16xf32>
      %div3A_458 = arith.constant 2.000000e+00 : f32
      %div3A_459 = vector.broadcast %div3A_458 : f32 to vector<16xf32>
      %div3A_460 = arith.divf %div3A_459, %max3A_457 : vector<16xf32>
      %min3A_461 = arith.constant 1.000000e+00 : f32
      %min3A_462 = vector.broadcast %min3A_461 : f32 to vector<16xf32>
      %min3A_463 = arith.minimumf %min3A_462, %div3A_460 : vector<16xf32>
      %mul3A_464 = arith.mulf %get3A_443, %min3A_463 : vector<16xf32>
      %add3A_465 = arith.addf %div3A, %mul3A_453 : vector<16xf32>
      %add3A_466 = arith.addf %add3A_465, %mul3A_464 : vector<16xf32>
      %mul3A_467 = arith.constant 2.000000e+00 : f32
      %mul3A_468 = vector.broadcast %mul3A_467 : f32 to vector<16xf32>
      %mul3A_469 = arith.mulf %add3A_466, %mul3A_468 : vector<16xf32>
      %add3A_470 = arith.constant 3.000000e+00 : f32
      %add3A_471 = vector.broadcast %add3A_470 : f32 to vector<16xf32>
      %add3A_472 = arith.addf %mul3A_469, %add3A_471 : vector<16xf32>
      %jit3A = arith.constant 1.000000e+00 : f32
      %jit3A_473 = arith.constant 5.000000e+00 : f32
      %max3A_474 = vector.broadcast %jit3A : f32 to vector<16xf32>
      %max3A_475 = arith.maximumf %max3A_474, %add3A_472 : vector<16xf32>
      %min3A_476 = vector.broadcast %jit3A_473 : f32 to vector<16xf32>
      %min3A_477 = arith.minimumf %min3A_476, %max3A_475 : vector<16xf32>
      %swap3A = arith.index_cast %mul3A_27 : i32 to index
      %swap3A_478 = tpu.vector_load %arg15[%swap3A] {strides = array<i32>} : memref<512xf32, #tpu.memory_space<vmem>>, vector<16xf32>,
      tpu.vector_store %arg15[%swap3A], %min3A_477 {strides = array<i32>} : memref<512xf32, #tpu.memory_space<vmem>>, vector<16xf32>,
    }
    %scan3A_24 = arith.constant 32 : i32
    "tpu.region"() ({
      %run_scoped3A = tpu.sem_alloc : memref<!tpu.dma_semaphore, #tpu.memory_space<semaphore_mem>>
      %dma_start3A_25 = tpu.memref_slice %arg8[%mul3A_2] : memref<16384xf32, #tpu.memory_space<hbm>> -> memref<512xf32, #tpu.memory_space<hbm>>
      %dma_start3A_26 = tpu.memref_slice %arg8[%mul3A_2] : memref<16384xf32, #tpu.memory_space<hbm>> -> memref<512xf32, #tpu.memory_space<hbm>>
      tpu.enqueue_dma source(%arg15 : memref<512xf32, #tpu.memory_space<vmem>>) target(%dma_start3A_26 : memref<512xf32, #tpu.memory_space<hbm>>) target_semaphore(%run_scoped3A : memref<!tpu.dma_semaphore, #tpu.memory_space<semaphore_mem>>)
      %dma_wait3A_27 = tpu.memref_slice %arg8[%mul3A_2] : memref<16384xf32, #tpu.memory_space<hbm>> -> memref<512xf32, #tpu.memory_space<hbm>>
      %dma_wait3A_28 = tpu.memref_slice %arg8[%mul3A_2] : memref<16384xf32, #tpu.memory_space<hbm>> -> memref<512xf32, #tpu.memory_space<hbm>>
      tpu.wait_dma2 semaphore(%run_scoped3A : memref<!tpu.dma_semaphore, #tpu.memory_space<semaphore_mem>>) src(%arg15 : memref<512xf32, #tpu.memory_space<vmem>>) dst(%dma_wait3A_28 : memref<512xf32, #tpu.memory_space<hbm>>)
      tpu.yield
    }) : () -> ()
    return
  }
}

</mosaic_0001>

<sc_bundles>
// kernel: kernel.3.cloned.1.call-start
scs
__scs_entry_jumppad:
0x0: {  	(pc) =	sbr.rel $0x88, $3  }
0x1: {  	(tag) =	ssettag $0x0;
	lr =	simm.s32 $0x1  }
0x2: {  	[smem:$0x3F9B] =	sst lr;
	_ =	strace $0xD0000000  }
0x3: {  	_ = 	snop  }
0x4: {  	_ = 	snop  }
0x5: {  	_ = 	snop  }
0x6: {  	_ = 	snop  }
0x7: {  	_ = 	snop  }
__scs_overlays_trampoline_lowered:
0x8: {  	[smem:$0x3FAA] =	sst s0  }
0x9: {  	[smem:$0x3FAB] =	sst s1  }
0xa: {  	[smem:$0x3FAC] =	sst s2  }
0xb: {  	[smem:$0x3FAD] =	sst s3  }
0xc: {  	[smem:$0x3FAE] =	sst s4  }
0xd: {  	[smem:$0x3FAF] =	sst s5  }
0xe: {  	[smem:$0x3FB0] =	sst s6  }
0xf: {  	[smem:$0x3FB1] =	sst s7  }
0x10: {  	[smem:$0x3FB2] =	sst s8  }
0x11: {  	[smem:$0x3FB3] =	sst s9;
	s0 =	simm.s32 @!p0 $0x0  }
0x12: {  	s1 =	sld [smem:$0x3F99];
	s0 =	simm.s32 @p0 $0x1  }
0x13: {  	[smem:$0x3FB4] =	sst s0;
	s0 =	simm.s32 @!p1 $0x0  }
0x14: {  	s2 =	sld [smem:$0x3F98];
	s0 =	simm.s32 @p1 $0x1  }
0x15: {  	[smem:$0x3FB5] =	sst s0;
	s0 =	simm.s32 @!p2 $0x0  }
0x16: {  	s3 =	sld [smem:$0x3FDB];
	s0 =	simm.s32 @p2 $0x1  }
0x17: {  	s4 =	simm.s32 $0x1BF5;
	[smem:$0x3FB7] =	sst s0  }
0x18: {  	s0 =	sld [smem:$0x3F9A];
	_ =	swait.ge [sflag:s4], $0x0  }
0x19: {  	s7 =	sld [smem:$0x3F9B]  }
0x1a: {  	s8 =	sadd.s32 $0xFFFFE003, lr  }
0x1b: {  	s9 =	sadd.s32 $0xFFFFFEF7, lr;
	s5 =	simm.s32 $0xFFFFFFFF;
	p2 =	slt.u32 s8, $0xFFFFF086  }
0x1c: {  	p1 =	slt.u32 s9, $0xF7A;
	s5 =	simm.s32 @!p2 $0x0  }
0x1d: {  	s5 =	simm.s32 @p1 $0x1;
	p0 =	seq.s32 s7, s2  }
0x1e: {  	s7 =	smul.u32 @!p0 $0xF7A, s2;
	p2 =	seq.s32 @!p0 s5, $0x0  }
0x1f: {  	s9 =	smul.u32 $0xF7A, s1;
	s8 =	simm.s32 @!p0 $0x1BF5;
	p2 =	por !p2, p0  }
0x20: {  	[sflag:s8] =	ssyncset.s32 @!p0 $0xFFFFF086;
	s6 =	sadd.s32 @!p0 s3, s7;
	s7 =	simm.s32 @!p0 $0x108  }
0x21: {  	s3 =	sadd.s32 s3, s9;
	s6 =	sadd.s32 @!p0 $0x88, s6;
	s7 =	simm.s32 @p2 $0x1082  }
0x22: {  	[simem:s7], [sflag:s8] =	dma.local @!p0 [hbm:s6], $0xF7A  }
0x23: {  	s9 =	sor.u32 $0xD0000000, s2;
	s6 =	simm.s32 $0x108;
	_ =	swait.ge @!p0 [sflag:s8], $0x0  }
0x24: {  	s3 =	sadd.s32 $0x88, s3;
	s6 =	simm.s32 @!p1 $0x1082;
	[sflag:s4] =	ssyncset.s32 $0xFFFFF086  }
0x25: {  	[simem:s6], [sflag:s4] =	dma.local [hbm:s3], $0xF7A  }
0x26: {  	[smem:$0x3F9B] =	sst s1;
	(tag) =	ssettag s2;
	_ =	strace s9  }
0x27: {  	s1 =	sld [smem:$0x3FAB]  }
0x28: {  	s2 =	sld [smem:$0x3FAC]  }
0x29: {  	s4 =	sld [smem:$0x3FAE]  }
0x2a: {  	p0 =	seq.s32 s5, $0x0;
	s5 =	sld [smem:$0x3FAF]  }
0x2b: {  	s6 =	sld [smem:$0x3FB0]  }
0x2c: {  	s7 =	sld [smem:$0x3FB1]  }
0x2d: {  	s3 =	simm.s32 $0x108;
	s8 =	sld [smem:$0x3FB2]  }
0x2e: {  	s3 =	simm.s32 @!p0 $0x1082;
	s9 =	sld [smem:$0x3FB3]  }
0x2f: {  	lr =	sadd.s32 s0, s3;
	s0 =	sld [smem:$0x3FAA]  }
0x30: {  	s3 =	sld [smem:$0x3FAD]  }
0x31: {  	[smem:$0x3FB6] =	sst s10  }
0x32: {  	s10 =	sld [smem:$0x3FB4];
	_ =	sdelay $0x3  }
0x33: {  	p0 =	seq.s32 s10, $0x1;
	s10 =	sld [smem:$0x3FB6];
	_ =	sdelay $0x3  }
0x34: {  	[smem:$0x3FB6] =	sst s10  }
0x35: {  	s10 =	sld [smem:$0x3FB5];
	_ =	sdelay $0x3  }
0x36: {  	p1 =	seq.s32 s10, $0x1;
	s10 =	sld [smem:$0x3FB6];
	_ =	sdelay $0x3  }
0x37: {  	[smem:$0x3FB6] =	sst s10  }
0x38: {  	s10 =	sld [smem:$0x3FB7]  }
0x39: {  	_ = 	snop;
	(pc) =	sbr.ind lr, $3  }
0x3a: {  	_ = 	snop  }
0x3b: {  	_ = 	snop  }
0x3c: {  	p2 =	seq.s32 s10, $0x1;
	s10 =	sld [smem:$0x3FB6]  }
0x3d: {  	_ =	shalt  }
0x3e: {  	_ =	shalt  }
0x3f: {  	_ =	shalt  }
0x40: {  	_ =	shalt  }
0x41: {  	_ =	shalt  }
0x42: {  	_ =	shalt  }
0x43: {  	_ =	shalt  }
0x44: {  	_ =	shalt  }
0x45: {  	_ =	shalt  }
0x46: {  	_ =	shalt  }
0x47: {  	_ =	shalt  }
0x48: {  	_ =	shalt  }
0x49: {  	_ =	shalt  }
0x4a: {  	_ =	shalt  }
0x4b: {  	_ =	shalt  }
0x4c: {  	_ =	shalt  }
0x4d: {  	_ =	shalt  }
0x4e: {  	_ =	shalt  }
0x4f: {  	_ =	shalt  }
0x50: {  	_ =	shalt  }
0x51: {  	_ =	shalt  }
0x52: {  	_ =	shalt  }
0x53: {  	_ =	shalt  }
0x54: {  	_ =	shalt  }
0x55: {  	_ =	shalt  }
0x56: {  	_ =	shalt  }
0x57: {  	_ =	shalt  }
0x58: {  	_ =	shalt  }
0x59: {  	_ =	shalt  }
0x5a: {  	_ =	shalt  }
0x5b: {  	_ =	shalt  }
0x5c: {  	_ =	shalt  }
0x5d: {  	_ =	shalt  }
0x5e: {  	_ =	shalt  }
0x5f: {  	_ =	shalt  }
0x60: {  	_ =	shalt  }
0x61: {  	_ =	shalt  }
0x62: {  	_ =	shalt  }
0x63: {  	_ =	shalt  }
0x64: {  	_ =	shalt  }
0x65: {  	_ =	shalt  }
0x66: {  	_ =	shalt  }
0x67: {  	_ =	shalt  }
0x68: {  	_ =	shalt  }
0x69: {  	_ =	shalt  }
0x6a: {  	_ =	shalt  }
0x6b: {  	_ =	shalt  }
0x6c: {  	_ =	shalt  }
0x6d: {  	_ =	shalt  }
0x6e: {  	_ =	shalt  }
0x6f: {  	_ =	shalt  }
0x70: {  	_ =	shalt  }
0x71: {  	_ =	shalt  }
0x72: {  	_ =	shalt  }
0x73: {  	_ =	shalt  }
0x74: {  	_ =	shalt  }
0x75: {  	_ =	shalt  }
0x76: {  	_ =	shalt  }
0x77: {  	_ =	shalt  }
0x78: {  	_ =	shalt  }
0x79: {  	_ =	shalt  }
0x7a: {  	_ =	shalt  }
0x7b: {  	_ =	shalt  }
0x7c: {  	_ =	shalt  }
0x7d: {  	_ =	shalt  }
0x7e: {  	_ =	shalt  }
0x7f: {  	_ =	shalt  }
0x80: {  	_ =	shalt  }
0x81: {  	_ =	shalt  }
0x82: {  	_ =	shalt  }
0x83: {  	_ =	shalt  }
0x84: {  	_ =	shalt  }
0x85: {  	_ =	shalt  }
0x86: {  	_ =	shalt  }
0x87: {  	_ =	shalt  }
.Lfunc_end0:
.L_simem_size_0:
called_computation_lowered:
.L_overlay_start_0:
0x88: {  	s2 =	sld [smem:$0x3FD9]  }
0x89: {  	s3 =	sld [smem:$0x3FFE];
	_ =	sdelay $0x1  }
0x8a: {  	s1 =	srdreg.scid  }
0x8b: {  	s0 =	sand.u32 $0x1, s1  }
0x8c: {  	s17 =	sshll.u32 s0, $0xA;
	s2 =	sadd.s32 s3, s2  }
0x8d: {  	s2 =	sadd.s32 s2, s17  }
0x8e: {  	[smem:$0x3FC2] =	sst s2  }
0x8f: {  	_ = 	snop  }
0x90: {  	s2 =	sld [smem:$0x3FC9]  }
0x91: {  	s18 =	sld [smem:$0x3FC8]  }
0x92: {  	s4 =	sld [smem:$0x3FD0];
	(tm) =	ssettm $0x1  }
0x93: {  	s5 =	sld [smem:$0x3FFB];
	_ =	sdelay $0x3  }
0x94: {  	_ =	strace s5  }
0x95: {  	s5 =	sld [smem:$0x3FFC];
	_ =	sdelay $0x3  }
0x96: {  	_ =	strace s5  }
0x97: {  	s5 =	sld [smem:$0x3FFD];
	_ =	sdelay $0x3  }
0x98: {  	_ =	strace s5  }
0x99: {  	_ =	strace $0x8FFFFFFF  }
0x9a: {  	s19 =	sld [smem:$0x3FDB];
	_ =	sdelay $0x1  }
0x9b: {  	s6 =	simm.s32 $_scs_section_size  }
0x9c: {  	s7 =	simm.s32 $_size__tile_overlayer_lowered;
	s8 =	simm.s32 $_tile_overlayer_lowered  }
0x9d: {  	s22 =	simm.s32 $0x1BFF;
	s21 =	sshll.u32 s8, $0x1;
	s5 =	sadd.s32 s6, s19  }
0x9e: {  	s9 =	simm.s32 $0x0;
	s20 =	sshll.u32 s7, $0x1;
	s7 =	sadd.s32 s21, s5  }
0x9f: {  	[timem:s9], [sflag:s22] =	dma.local [hbm:s7], s20  }
0xa0: {  	_ =	swait.ge [sflag:s22], s20  }
0xa1: {  	s6 =	ssub.s32 $0x0, s20;
	[sflag:s22] =	ssyncset.done $0x0  }
0xa2: {  	[sflag:s22] =	ssyncadd.s32 s6;
	_ =	sdelay $0x1  }
0xa3: {  	s23 =	simm.s32 $0x1B8B  }
0xa4: {  	_ =	swait.ge [sflag:s23], $0x1  }
0xa5: {  	[sflag:s23] =	ssyncset.done $0x0  }
0xa6: {  	s25 =	simm.s32 $0x1B8E;
	s24 =	sld [smem:$0x3FFE];
	[sflag:s23] =	ssyncadd.s32 $0xFFFFFFFF  }
0xa7: {  	s26 =	simm.s32 $execute0_lowered;
	[smem:$0x3FD2] =	sst s25  }
0xa8: {  	s7 =	sshll.u32 s26, $0x1;
	_ =	strace $0x80000046;
	[dreg:$0x1] =	wrdreg $0xFFFFFFFF  }
0xa9: {  	s28 =	simm.s32 $_size_execute0_lowered;
	s5 =	sadd.s32 s5, s7;
	[dreg:$0x0] =	wrdreg $0x0  }
0xaa: {  	s7 =	sshll.u32 s28, $0x1;
	[dreg:$0x2] =	wrdreg s5  }
0xab: {  	[dreg:$0x3] =	wrdreg s7  }
0xac: {  	[dreg:$0x4] =	wrdreg $0xC0  }
0xad: {  	_ =	task [dreg:s9], $0x5FFFF  }
0xae: {  	[dreg:$0x1] =	wrdreg $0xFFFFFFFF  }
0xaf: {  	[dreg:$0x0] =	wrdreg $0x60  }
0xb0: {  	[dreg:$0x2] =	wrdreg s2  }
0xb1: {  	[dreg:$0x3] =	wrdreg s18  }
0xb2: {  	[dreg:$0x4] =	wrdreg s24  }
0xb3: {  	[dreg:$0x5] =	wrdreg s4  }
0xb4: {  	[dreg:$0x6] =	wrdreg $0x9  }
0xb5: {  	_ =	task.clear_ibuf [dreg:s9], $0x7FFFF;
	_ =	strace $0x90000046  }
0xb6: {  	s29 =	simm.s32 $0x9;
	_ =	strace $0x80000048  }
0xb7: {  	_ =	swait.ge [sflag:s29], $0x1  }
0xb8: {  	[sflag:s29] =	ssyncadd.s32 $0xFFFFFFFF  }
0xb9: {  	_ =	strace $0x90000048  }
0xba: {  	_ =	sfence  }
0xbb: {  	s30 =	sld [smem:$0x0];
	_ =	sdelay $0x2  }
0xbc: {  	s31 =	sshll.u32 s1, $0xD;
	s1 =	sshrl.u32 s1, $0x2  }
0xbd: {  	s3 =	sand.u32 $0x4000, s31;
	s1 =	sadd.s32 s1, s30  }
0xbe: {  	s0 =	sor.u32 s3, s0;
	s1 =	sshll.u32 s1, $0x11  }
0xbf: {  	s0 =	sor.u32 s1, s0  }
0xc0: {  	s0 =	sadd.s32 $0x8F2B, s0  }
0xc1: {  	[sflag:s0] =	ssyncadd.remote.s32 $0x1  }
0xc2: {  	_ =	sfence.sel $0xFFFF  }
0xc3: {  	[dreg:$0x0] =	wrdreg $0xFFFFFFFF;
	(pc) =	sbr.abs _section_cstart, $3  }
0xc4: {  	[dreg:$0x1] =	wrdreg $0xFFFFFFFF  }
0xc5: {  	_ =	task.clear_ibuf [dreg:s9], $0x2FFFF;
	_ =	strace $0x9FFFFFFF  }
0xc6: {  	(tm) =	ssettm $0x7FFFFFFF  }
0xc7: {  	_ =	shalt  }
tec
execute0_lowered:
.L_overlay_start_1:
0x0: {  	(tag) =	ssettag $0x1  }
0x1: {  	s7 =	rddreg [dreg:$0x0]  }
0x2: {  	s8 =	rddreg [dreg:$0x1]  }
0x3: {  	s1 =	rddreg [dreg:$0x2]  }
0x4: {  	s9 =	rddreg [dreg:$0x3]  }
0x5: {  	s0 =	rddreg [dreg:$0x4];
	s2 =	simm.s32 $0x0;
	s6 =	srdreg.scid  }
0x6: {  	s3 =	stileid.u32;
	s14 =	simm.s32 $0x4400;
	s15 =	simm.s32 $0x1  }
0x7: {  	s16 =	simm.s32 $0x2;
	s17 =	simm.s32 $0x3;
	s18 =	simm.s32 $0x4  }
0x8: {  	s19 =	simm.s32 $0x8800;
	s20 =	simm.s32 $0x0;
	[smem:$0x7FF] =	sst s2  }
0x9: {  	s4 =	sadd.s32 $0x1312E00, s1;
	s5 =	sadd.s32 $0xF42400, s1;
	s6 =	sand.u32 $0x1, s6  }
0xa: {  	s11 =	sshll.u32 s3, $0x7;
	_ =	strace $0x80000047;
	s10 =	ssub.s32 $0x2, s6  }
0xb: {  	s12 =	sshll.u32 s6, $0x6;
	s6 =	sadd.s32 $0x1EA00, s1;
	s13 =	sshrl.u32 s10, $0x1  }
0xc: {  	s11 =	sor.u32 s12, s11;
	s12 =	simm.s32 $0x200;
	s10 =	ssub.s32 s10, s13  }
0xd: {  	v0 =	vlaneseq.u32;
	s7 =	sadd.s32 s7, s11;
	s8 =	sadd.s32 s8, s11;
	s9 =	sadd.s32 s9, s11  }
0xe: {  	v0 =	vmul.u32 $0x20, v0;
	s11 =	simm.s32 $0x5;
	s13 =	simm.s32 $0x400;
	s10 =	smax.u32 s10, $0x1  }
.LBB2_1:
0xf: {  	[tilespmem:s2], [sflag:$0x5] =	stream.linear.gather [hbm4b:s7+s2], $0x200, $0x38;
	[tilespmem:$0x8A00] =	vst v63  }
0x10: {  	_ =	swait.ge [sflag:s11], $0x200  }
0x11: {  	[sflag:s11] =	ssyncset.done $0x0  }
0x12: {  	[sflag:s11] =	ssyncadd.s32 $0xFFFFFE00  }
0x13: {  	[tilespmem:s12], [sflag:$0x5] =	stream.linear.gather [hbm4b:s8+s2], $0x200, $0x38;
	[tilespmem:$0x8A00] =	vst v63  }
0x14: {  	_ =	swait.ge [sflag:s11], $0x200  }
0x15: {  	[sflag:s11] =	ssyncset.done $0x0  }
0x16: {  	[sflag:s11] =	ssyncadd.s32 $0xFFFFFE00  }
0x17: {  	[tilespmem:s13], [sflag:$0x1] =	stream.indirect.gather [hbm4b:s4+s12], $0x20, s2, s12, $0xb8;
	[tilespmem:$0x8A00] =	vst v63  }
0x18: {  	_ = 	snop  }
0x19: {  	[tilespmem:s14], [sflag:$0x2] =	stream.indirect.gather [hbm4b:s5+s12], $0x20, s12, s12, $0xb8;
	[tilespmem:$0x8A00] =	vst v63  }
0x1a: {  	s22 =	simm.s32 $0x8400  }
0x1b: {  	[tilespmem:s22], [sflag:$0x3] =	stream.indirect.gather [hbm4b:s6+s12], $0x1, s2, s12, $0xb8;
	[tilespmem:$0x8A00] =	vst v63  }
0x1c: {  	s21 =	simm.s32 $0x8600  }
0x1d: {  	[tilespmem:s21], [sflag:$0x4] =	stream.indirect.gather [hbm4b:s1+s12], $0x1, s12, s12, $0xb8;
	[tilespmem:$0x8A00] =	vst v63  }
0x1e: {  	_ =	swait.ge [sflag:s15], $0x4000  }
0x1f: {  	[sflag:s15] =	ssyncset.done $0x0  }
0x20: {  	[sflag:s15] =	ssyncadd.s32 $0xFFFFC000  }
0x21: {  	_ =	swait.ge [sflag:s16], $0x4000  }
0x22: {  	[sflag:s16] =	ssyncset.done $0x0  }
0x23: {  	v1 =	vmov s2;
	[sflag:s16] =	ssyncadd.s32 $0xFFFFC000  }
0x24: {  	v1 =	vshll.u32 v1, $0x5;
	_ =	swait.ge [sflag:s17], $0x200  }
0x25: {  	v1 =	vor.u32 v0, v1;
	[sflag:s17] =	ssyncset.done $0x0  }
0x26: {  	v2 =	vor.u32 $0x1, v1;
	[sflag:s17] =	ssyncadd.s32 $0xFFFFFE00  }
0x27: {  	_ =	swait.ge [sflag:s18], $0x200  }
0x28: {  	[sflag:s18] =	ssyncset.done $0x0  }
0x29: {  	v3 =	vor.u32 $0x2, v1;
	[sflag:s18] =	ssyncadd.s32 $0xFFFFFE00  }
0x2a: {  	v39 =	vld.idx.msk [tilespmem:v1+s13+$0x0], $0xffff  }
0x2b: {  	v4 =	vor.u32 $0x3, v1;
	v36 =	vld.idx.msk [tilespmem:v2+s14+$0x0], $0xffff  }
0x2c: {  	v43 =	vld.idx.msk [tilespmem:v2+s13+$0x0], $0xffff  }
0x2d: {  	v45 =	vor.u32 $0x6, v1;
	v42 =	vld.idx.msk [tilespmem:v1+s14+$0x0], $0xffff  }
0x2e: {  	v2 =	vor.u32 $0x4, v1;
	v40 =	vld.idx.msk [tilespmem:v3+s13+$0x0], $0xffff  }
0x2f: {  	v41 =	vld.idx.msk [tilespmem:v3+s14+$0x0], $0xffff  }
0x30: {  	v3 =	vor.u32 $0x5, v1;
	v37 =	vld.idx.msk [tilespmem:v4+s13+$0x0], $0xffff  }
0x31: {  	v38 =	vld.idx.msk [tilespmem:v4+s14+$0x0], $0xffff  }
0x32: {  	v23 =	vld.idx.msk [tilespmem:v45+s13+$0x0], $0xffff;
	v5 =	vmul.f32 v39, v39;
	v6 =	vmul.f32 v43, v43  }
0x33: {  	v9 =	vor.u32 $0x8, v1;
	v31 =	vld.idx.msk [tilespmem:v2+s13+$0x0], $0xffff;
	v7 =	vmul.f32 v42, v42;
	v8 =	vmul.f32 v36, v36  }
0x34: {  	v34 =	vld.idx.msk [tilespmem:v2+s14+$0x0], $0xffff;
	v2 =	vor.u32 $0x7, v1;
	v46 =	vmul.f32 v40, v40;
	v5 =	vadd.f32 v6, v5  }
0x35: {  	v26 =	vld.idx.msk [tilespmem:v3+s13+$0x0], $0xffff;
	v7 =	vadd.f32 v8, v7;
	v8 =	vmul.f32 v41, v41  }
0x36: {  	v30 =	vld.idx.msk [tilespmem:v3+s14+$0x0], $0xffff;
	v47 =	vmul.f32 v37, v37;
	v3 =	vadd.f32 v46, v5  }
0x37: {  	v10 =	vor.u32 $0x9, v1;
	v27 =	vld.idx.msk [tilespmem:v45+s14+$0x0], $0xffff;
	v48 =	vadd.f32 v8, v7;
	v8 =	vmul.f32 v38, v38  }
0x38: {  	v14 =	vld.idx.msk [tilespmem:v9+s14+$0x0], $0xffff;
	v49 =	vmul.f32 v31, v31;
	v3 =	vadd.f32 v47, v3  }
0x39: {  	v45 =	vor.u32 $0x1B, v1;
	v7 =	vld.idx.msk [tilespmem:v2+s13+$0x0], $0xffff;
	v6 =	vadd.f32 v8, v48;
	v8 =	vmul.f32 v34, v34  }
0x3a: {  	v12 =	vor.u32 $0xA, v1;
	v16 =	vld.idx.msk [tilespmem:v2+s14+$0x0], $0xffff;
	v2 =	vadd.f32 v49, v3;
	v3 =	vmul.f32 v26, v26  }
0x3b: {  	v5 =	vld.idx.msk [tilespmem:v9+s13+$0x0], $0xffff;
	v6 =	vadd.f32 v8, v6;
	v8 =	vmul.f32 v30, v30  }
0x3c: {  	v13 =	vor.u32 $0xB, v1;
	v4 =	vld.idx.msk [tilespmem:v10+s13+$0x0], $0xffff;
	v2 =	vadd.f32 v3, v2;
	v3 =	vmul.f32 v23, v23  }
0x3d: {  	v11 =	vld.idx.msk [tilespmem:v10+s14+$0x0], $0xffff;
	v9 =	vor.u32 $0xC, v1;
	v6 =	vadd.f32 v8, v6;
	v8 =	vmul.f32 v27, v27  }
0x3e: {  	v10 =	vmul.f32 v7, v7;
	v23 =	vmul.f32 v27, v23;
	v27 =	vld.idx.msk [tilespmem:v45+s13+$0x0], $0xffff;
	v3 =	vadd.f32 v3, v2  }
0x3f: {  	v15 =	vmul.f32 v16, v16;
	v2 =	vld.idx.msk [tilespmem:v12+s13+$0x0], $0xffff;
	v6 =	vadd.f32 v8, v6  }
0x40: {  	v17 =	vor.u32 $0xD, v1;
	v18 =	vmul.f32 v5, v5;
	v8 =	vld.idx.msk [tilespmem:v12+s14+$0x0], $0xffff;
	v50 =	vadd.f32 v10, v3  }
0x41: {  	v19 =	vmul.f32 v14, v14;
	v3 =	vld.idx.msk [tilespmem:v13+s13+$0x0], $0xffff;
	v15 =	vadd.f32 v15, v6  }
0x42: {  	v20 =	vor.u32 $0xE, v1;
	v51 =	vmul.f32 v4, v4;
	v10 =	vld.idx.msk [tilespmem:v13+s14+$0x0], $0xffff;
	v12 =	vadd.f32 v18, v50  }
0x43: {  	v6 =	vld.idx.msk [tilespmem:v9+s13+$0x0], $0xffff;
	v18 =	vadd.f32 v19, v15;
	v19 =	vmul.f32 v11, v11  }
0x44: {  	v21 =	vor.u32 $0xF, v1;
	v15 =	vld.idx.msk [tilespmem:v9+s14+$0x0], $0xffff;
	v52 =	vmul.f32 v2, v2;
	v9 =	vadd.f32 v51, v12  }
0x45: {  	v22 =	vmul.f32 v8, v8;
	v12 =	vld.idx.msk [tilespmem:v17+s13+$0x0], $0xffff;
	v18 =	vadd.f32 v19, v18  }
0x46: {  	v24 =	vor.u32 $0x10, v1;
	v19 =	vld.idx.msk [tilespmem:v17+s14+$0x0], $0xffff;
	v25 =	vmul.f32 v3, v3;
	v13 =	vadd.f32 v52, v9  }
0x47: {  	v53 =	vmul.f32 v10, v10;
	v9 =	vld.idx.msk [tilespmem:v20+s13+$0x0], $0xffff;
	v18 =	vadd.f32 v22, v18  }
0x48: {  	v28 =	vor.u32 $0x11, v1;
	v17 =	vld.idx.msk [tilespmem:v20+s14+$0x0], $0xffff;
	v29 =	vmul.f32 v6, v6;
	v25 =	vadd.f32 v25, v13  }
0x49: {  	v32 =	vmul.f32 v15, v15;
	v13 =	vld.idx.msk [tilespmem:v21+s13+$0x0], $0xffff;
	v22 =	vadd.f32 v53, v18  }
0x4a: {  	v33 =	vor.u32 $0x12, v1;
	v20 =	vld.idx.msk [tilespmem:v21+s14+$0x0], $0xffff;
	v54 =	vmul.f32 v12, v12;
	v25 =	vadd.f32 v29, v25  }
0x4b: {  	v18 =	vld.idx.msk [tilespmem:v24+s13+$0x0], $0xffff;
	v35 =	vmul.f32 v19, v19;
	v32 =	vadd.f32 v32, v22  }
0x4c: {  	v44 =	vor.u32 $0x13, v1;
	v21 =	vld.idx.msk [tilespmem:v24+s14+$0x0], $0xffff;
	v55 =	vmul.f32 v9, v9;
	v25 =	vadd.f32 v54, v25  }
0x4d: {  	v46 =	vor.u32 $0x14, v1;
	v56 =	vmul.f32 v17, v17;
	v22 =	vld.idx.msk [tilespmem:v28+s13+$0x0], $0xffff;
	v32 =	vadd.f32 v35, v32  }
0x4e: {  	v24 =	vld.idx.msk [tilespmem:v28+s14+$0x0], $0xffff;
	v47 =	vmul.f32 v13, v13;
	v29 =	vadd.f32 v55, v25  }
0x4f: {  	v49 =	vor.u32 $0x15, v1;
	v57 =	vmul.f32 v20, v20;
	v25 =	vld.idx.msk [tilespmem:v33+s13+$0x0], $0xffff;
	v32 =	vadd.f32 v56, v32  }
0x50: {  	v43 =	vmul.f32 v36, v43;
	v28 =	vld.idx.msk [tilespmem:v33+s14+$0x0], $0xffff;
	v59 =	vmul.f32 v18, v18;
	v58 =	vadd.f32 v47, v29  }
0x51: {  	v42 =	vmul.f32 v42, v39;
	v51 =	vmul.f32 v21, v21;
	v29 =	vld.idx.msk [tilespmem:v44+s13+$0x0], $0xffff;
	v35 =	vadd.f32 v57, v32  }
0x52: {  	v52 =	vor.u32 $0x16, v1;
	v33 =	vld.idx.msk [tilespmem:v46+s13+$0x0], $0xffff;
	v61 =	vmul.f32 v22, v22;
	v60 =	vadd.f32 v59, v58  }
0x53: {  	v42 =	vadd.f32 $0.0e+00, v42;
	v54 =	vmul.f32 v24, v24;
	v32 =	vld.idx.msk [tilespmem:v44+s14+$0x0], $0xffff;
	v51 =	vadd.f32 v51, v35  }
0x54: {  	v36 =	vld.idx.msk [tilespmem:v49+s13+$0x0], $0xffff;
	v55 =	vor.u32 $0x17, v1;
	v62 =	vmul.f32 v25, v25;
	v44 =	vadd.f32 v61, v60  }
0x55: {  	v43 =	vadd.f32 v43, v42;
	v50 =	vor.u32 $0x18, v1;
	v35 =	vld.idx.msk [tilespmem:v46+s14+$0x0], $0xffff;
	v63 =	vadd.f32 v54, v51  }
0x56: {  	v39 =	vld.idx.msk [tilespmem:v49+s14+$0x0], $0xffff;
	v54 =	vmul.f32 v28, v28;
	v56 =	vmul.f32 v29, v29;
	v44 =	vadd.f32 v62, v44  }
0x57: {  	v53 =	vor.u32 $0x19, v1;
	v57 =	vmul.f32 v41, v40;
	v40 =	vld.idx.msk [tilespmem:v52+s13+$0x0], $0xffff;
	v59 =	vmul.f32 v33, v33  }
0x58: {  	v41 =	vld.idx.msk [tilespmem:v52+s14+$0x0], $0xffff;
	v58 =	vmul.f32 v32, v32;
	v47 =	vadd.f32 v54, v63;
	v44 =	vadd.f32 v56, v44  }
0x59: {  	v52 =	vmul.f32 v38, v37;
	v37 =	vld.idx.msk [tilespmem:v55+s13+$0x0], $0xffff;
	v61 =	vor.u32 $0x1A, v1;
	v62 =	vmul.f32 v36, v36  }
0x5a: {  	v38 =	vld.idx.msk [tilespmem:v55+s14+$0x0], $0xffff;
	v60 =	vmul.f32 v35, v35;
	v47 =	vadd.f32 v58, v47;
	v44 =	vadd.f32 v59, v44  }
0x5b: {  	v48 =	vor.u32 $0x1C, v1;
	v42 =	vld.idx.msk [tilespmem:v50+s13+$0x0], $0xffff;
	v55 =	vmul.f32 v34, v31;
	v63 =	vmul.f32 v39, v39  }
0x5c: {  	v31 =	vld.idx.msk [tilespmem:v50+s14+$0x0], $0xffff;
	v56 =	vmul.f32 v40, v40;
	v47 =	vadd.f32 v60, v47;
	v44 =	vadd.f32 v62, v44  }
0x5d: {  	v26 =	vmul.f32 v30, v26;
	v43 =	vadd.f32 v57, v43;
	v34 =	vld.idx.msk [tilespmem:v53+s13+$0x0], $0xffff;
	v57 =	vmul.f32 v41, v41  }
0x5e: {  	v51 =	vld.idx.msk [tilespmem:v53+s14+$0x0], $0xffff;
	v58 =	vmul.f32 v37, v37;
	v47 =	vadd.f32 v63, v47;
	v44 =	vadd.f32 v56, v44  }
0x5f: {  	v50 =	vor.u32 $0x1D, v1;
	v43 =	vadd.f32 v52, v43;
	v30 =	vld.idx.msk [tilespmem:v61+s13+$0x0], $0xffff;
	v59 =	vmul.f32 v38, v38  }
0x60: {  	v52 =	vld.idx.msk [tilespmem:v61+s14+$0x0], $0xffff;
	v60 =	vmul.f32 v42, v42;
	v47 =	vadd.f32 v57, v47;
	v44 =	vadd.f32 v58, v44  }
0x61: {  	v45 =	vld.idx.msk [tilespmem:v45+s14+$0x0], $0xffff;
	v43 =	vadd.f32 v55, v43;
	v61 =	vmul.f32 v31, v31;
	v62 =	vor.u32 $0x1E, v1  }
0x62: {  	v54 =	vld.idx.msk [tilespmem:v48+s13+$0x0], $0xffff;
	v63 =	vmul.f32 v34, v34;
	v47 =	vadd.f32 v59, v47;
	v44 =	vadd.f32 v60, v44  }
0x63: {  	v48 =	vld.idx.msk [tilespmem:v48+s14+$0x0], $0xffff;
	v26 =	vadd.f32 v26, v43;
	v1 =	vor.u32 $0x1F, v1;
	v57 =	vmul.f32 v51, v51  }
0x64: {  	v43 =	vld.idx.msk [tilespmem:v50+s13+$0x0], $0xffff;
	v58 =	vmul.f32 v30, v30;
	v47 =	vadd.f32 v61, v47;
	v44 =	vadd.f32 v63, v44  }
0x65: {  	v7 =	vmul.f32 v16, v7;
	v16 =	vld.idx.msk [tilespmem:v50+s14+$0x0], $0xffff;
	v23 =	vadd.f32 v23, v26;
	v59 =	vmul.f32 v52, v52  }
0x66: {  	v26 =	vld.idx.msk [tilespmem:v62+s13+$0x0], $0xffff;
	v60 =	vmul.f32 v27, v27;
	v47 =	vadd.f32 v57, v47;
	v44 =	vadd.f32 v58, v44  }
0x67: {  	v5 =	vmul.f32 v14, v5;
	v14 =	vld.idx.msk [tilespmem:v62+s14+$0x0], $0xffff;
	v62 =	vmul.f32 v54, v54  }
0x68: {  	v61 =	vmul.f32 v45, v45;
	v47 =	vadd.f32 v59, v47;
	v44 =	vadd.f32 v60, v44  }
0x69: {  	v4 =	vmul.f32 v11, v4;
	v7 =	vadd.f32 v7, v23;
	v53 =	vmul.f32 v43, v43;
	v23 =	vld.idx.msk [tilespmem:v1+s13+$0x0], $0xffff  }
0x6a: {  	v63 =	vmul.f32 v48, v48;
	v47 =	vadd.f32 v61, v47;
	v11 =	vadd.f32 v62, v44  }
0x6b: {  	v5 =	vadd.f32 v5, v7;
	v56 =	vmul.f32 v16, v16;
	v1 =	vld.idx.msk [tilespmem:v1+s14+$0x0], $0xffff  }
0x6c: {  	v57 =	vmul.f32 v26, v26;
	v55 =	vadd.f32 v63, v47;
	v11 =	vadd.f32 v53, v11  }
0x6d: {  	v2 =	vmul.f32 v8, v2;
	v4 =	vadd.f32 v4, v5;
	v59 =	vmul.f32 v14, v14  }
0x6e: {  	v58 =	vadd.f32 v56, v55;
	v8 =	vadd.f32 v57, v11;
	v11 =	vmul.f32 v23, v23  }
0x6f: {  	v3 =	vmul.f32 v10, v3;
	v2 =	vadd.f32 v2, v4  }
0x70: {  	v62 =	vmul.f32 v1, v1;
	v60 =	vadd.f32 v59, v58;
	v61 =	vadd.f32 v11, v8  }
0x71: {  	v6 =	vmul.f32 v15, v6  }
0x72: {  	v2 =	vadd.f32 v3, v2;
	v3 =	vadd.f32 v62, v60;
	v63 =	vmax.f32 v61, $1.000000020e-24  }
0x73: {  	v12 =	vmul.f32 v19, v12;
	v15 =	vshra.s32 v63, $0x1;
	v8 =	vmul.f32 $5.000000000e-01, v63  }
0x74: {  	v2 =	vadd.f32 v6, v2;
	v3 =	vmax.f32 v3, $1.000000020e-24;
	v44 =	vsub.s32 $0x5F3759DF, v15  }
0x75: {  	v46 =	vshra.s32 v3, $0x1;
	v10 =	vmul.f32 $5.000000000e-01, v3;
	v11 =	vmul.f32 v44, v8  }
0x76: {  	v9 =	vmul.f32 v17, v9;
	v2 =	vadd.f32 v12, v2;
	v47 =	vsub.s32 $0x5F3759DF, v46  }
0x77: {  	v7 =	vmul.f32 v47, v10;
	v11 =	vmul.f32 v44, v11  }
0x78: {  	v49 =	vmul.f32 v20, v13;
	v2 =	vadd.f32 v9, v2  }
0x79: {  	v7 =	vmul.f32 v47, v7;
	v9 =	vsub.f32 $1.500000000e+00, v11  }
0x7a: {  	v2 =	vadd.f32 v49, v2;
	v11 =	vmul.f32 v21, v18  }
0x7b: {  	v7 =	vsub.f32 $1.500000000e+00, v7;
	v6 =	vmul.f32 v44, v9  }
0x7c: {  	v9 =	vmul.f32 v24, v22;
	v2 =	vadd.f32 v11, v2  }
0x7d: {  	v5 =	vmul.f32 v47, v7;
	v50 =	vmul.f32 v6, v8  }
0x7e: {  	v11 =	vmul.f32 v28, v25;
	v2 =	vadd.f32 v9, v2  }
0x7f: {  	v9 =	vmul.f32 v5, v10;
	v7 =	vmul.f32 v50, v6  }
0x80: {  	v53 =	vmul.f32 v32, v29;
	v2 =	vadd.f32 v11, v2  }
0x81: {  	v9 =	vmul.f32 v9, v5;
	v7 =	vsub.f32 $1.500000000e+00, v7  }
0x82: {  	v11 =	vmul.f32 v35, v33;
	v2 =	vadd.f32 v53, v2  }
0x83: {  	v9 =	vsub.f32 $1.500000000e+00, v9;
	v6 =	vmul.f32 v7, v6  }
0x84: {  	v55 =	vmul.f32 v39, v36;
	v2 =	vadd.f32 v11, v2  }
0x85: {  	v5 =	vmul.f32 v9, v5;
	v8 =	vmul.f32 v6, v8  }
0x86: {  	v9 =	vmul.f32 v41, v40;
	v2 =	vadd.f32 v55, v2  }
0x87: {  	v56 =	vmul.f32 v5, v10;
	v8 =	vmul.f32 v8, v6  }
0x88: {  	v10 =	vmul.f32 v38, v37;
	v2 =	vadd.f32 v9, v2  }
0x89: {  	v7 =	vmul.f32 v56, v5;
	v8 =	vsub.f32 $1.500000000e+00, v8  }
0x8a: {  	v9 =	vmul.f32 v31, v42;
	v2 =	vadd.f32 v10, v2  }
0x8b: {  	v7 =	vsub.f32 $1.500000000e+00, v7;
	v6 =	vmul.f32 v8, v6  }
0x8c: {  	v8 =	vmul.f32 v51, v34;
	v2 =	vadd.f32 v9, v2;
	v9 =	vld [tilespmem:s22+$0x0]  }
0x8d: {  	v5 =	vmul.f32 v7, v5;
	v4 =	vmul.f32 v6, v63  }
0x8e: {  	v57 =	vmul.f32 v52, v30;
	v2 =	vadd.f32 v8, v2;
	v6 =	vmin.f32 v6, $1.000000000e+00;
	v8 =	vld [tilespmem:s21+$0x0]  }
0x8f: {  	v3 =	vmul.f32 v5, v3;
	v4 =	vmul.f32 v6, v4  }
0x90: {  	v10 =	vmul.f32 v45, v27;
	v2 =	vadd.f32 v57, v2  }
0x91: {  	v58 =	vmul.f32 v48, v54;
	v59 =	vand.u32 $0x7FFFFFFF, v9;
	v3 =	vmul.f32 v3, v4  }
0x92: {  	v5 =	vmin.f32 v5, $1.000000000e+00;
	v2 =	vadd.f32 v10, v2;
	v4 =	vmax.f32 v59, $1.000000010e-07  }
0x93: {  	v10 =	vand.u32 $0x7FFFFFFF, v8;
	(erf) = vrcp.f32 v4;
	v3 =	vmul.f32 v3, v5  }
0x94: {  	v60 =	vmul.f32 v16, v43;
	v2 =	vadd.f32 v58, v2;
	v61 =	vmax.f32 v10, $1.000000010e-07  }
0x95: {  	(erf) = vrcp.f32 v61;
	v3 =	vmax.f32 v3, $9.999999930e-09  }
0x96: {  	v62 =	vmul.f32 v14, v26;
	v2 =	vadd.f32 v60, v2;
	(erf) = vrcp.f32 v3;
	_ =	sdelay $0x1  }
0x97: {  	v1 =	vmul.f32 v1, v23;
	v2 =	vadd.f32 v62, v2;
	_ =	sdelay $0x1  }
0x98: {  	v1 =	vadd.f32 v1, v2;
	_ =	sdelay $0x1  }
0x99: {  	v1 =	vmul.f32 v6, v1;
	v2 =	vpop (erf)  }
0x9a: {  	v2 =	vadd.f32 v2, v2  }
0x9b: {  	v1 =	vmul.f32 v5, v1;
	v3 =	vpop (erf)  }
0x9c: {  	v2 =	vmin.f32 v2, $1.000000000e+00;
	v3 =	vadd.f32 v3, v3;
	v63 =	vpop (erf)  }
0x9d: {  	v2 =	vmul.f32 v2, v9;
	v1 =	vmul.f32 v63, v1  }
0x9e: {  	v3 =	vmin.f32 v3, $1.000000000e+00  }
0x9f: {  	v3 =	vmul.f32 v3, v8;
	v1 =	vadd.f32 v1, v2  }
0xa0: {  	s23 =	simm.s32 $0x10  }
0xa1: {  	v2 =	vmov s23;
	v3 =	vadd.f32 v1, v3  }
0xa2: {  	v1 =	vshll.u32 v2, $0x5  }
0xa3: {  	v1 =	vor.u32 v0, v1;
	v2 =	vadd.f32 v3, v3  }
0xa4: {  	v10 =	vor.u32 $0x1, v1  }
0xa5: {  	s28 =	simm.s32 $0x20;
	s24 =	simm.s32 $0x8800;
	s23 =	simm.s32 $0x8810;
	v19 =	vor.u32 $0x2, v1;
	v18 =	vor.u32 $0x3, v1;
	v2 =	vadd.f32 $3.000000000e+00, v2  }
.LBB2_2:
0xa6: {  	s22 =	sadd.s32 $0x10, s22  }
0xa7: {  	s21 =	sadd.s32 $0x10, s21;
	s26 =	smov.u32 s28;
	s25 =	sadd.s32 $0x10, s28  }
0xa8: {  	p0 =	sne.s32 s28, $0x1F0;
	v2 =	vmax.f32 v2, $1.000000000e+00  }
0xa9: {  	v4 =	vmin.f32 v2, $5.000000000e+00  }
0xaa: {  	v3 =	vor.u32 $0x1E, v1;
	v2 =	vor.u32 $0x1F, v1;
	[tilespmem:s24+$0x0] =	vst v4;
	s24 =	smov.u32 s23  }
0xab: {  	v6 =	vor.u32 $0x1B, v1;
	v5 =	vor.u32 $0x1C, v1;
	v4 =	vor.u32 $0x1D, v1;
	v20 =	vld.idx.msk [tilespmem:v1+s13+$0x0], $0xffff  }
0xac: {  	v9 =	vor.u32 $0x18, v1;
	v8 =	vor.u32 $0x19, v1;
	v7 =	vor.u32 $0x1A, v1;
	v21 =	vld.idx.msk [tilespmem:v10+s14+$0x0], $0xffff  }
0xad: {  	v12 =	vor.u32 $0x15, v1;
	v11 =	vor.u32 $0x16, v1;
	v22 =	vld.idx.msk [tilespmem:v10+s13+$0x0], $0xffff;
	v10 =	vor.u32 $0x17, v1  }
0xae: {  	v24 =	vor.u32 $0x4, v1;
	v14 =	vor.u32 $0x12, v1;
	v13 =	vor.u32 $0x14, v1;
	v23 =	vld.idx.msk [tilespmem:v1+s14+$0x0], $0xffff  }
0xaf: {  	v17 =	vor.u32 $0xF, v1;
	v16 =	vor.u32 $0x10, v1;
	v15 =	vor.u32 $0x11, v1;
	v25 =	vld.idx.msk [tilespmem:v19+s13+$0x0], $0xffff  }
0xb0: {  	v26 =	vor.u32 $0x5, v1;
	v27 =	vor.u32 $0xD, v1;
	v28 =	vor.u32 $0xE, v1;
	v19 =	vld.idx.msk [tilespmem:v19+s14+$0x0], $0xffff  }
0xb1: {  	v30 =	vor.u32 $0xA, v1;
	v31 =	vor.u32 $0xB, v1;
	v32 =	vor.u32 $0xC, v1;
	v29 =	vld.idx.msk [tilespmem:v18+s13+$0x0], $0xffff  }
0xb2: {  	v34 =	vor.u32 $0x6, v1;
	v35 =	vor.u32 $0x9, v1;
	v33 =	vmul.f32 v20, v20;
	v18 =	vld.idx.msk [tilespmem:v18+s14+$0x0], $0xffff  }
0xb3: {  	v38 =	vor.u32 $0x8, v1;
	v36 =	vmul.f32 v21, v22;
	v22 =	vmul.f32 v22, v22;
	v37 =	vld.idx.msk [tilespmem:v24+s13+$0x0], $0xffff  }
0xb4: {  	v40 =	vor.u32 $0x7, v1;
	v21 =	vmul.f32 v21, v21;
	v39 =	vmul.f32 v23, v23;
	v24 =	vld.idx.msk [tilespmem:v24+s14+$0x0], $0xffff  }
0xb5: {  	v20 =	vmul.f32 v23, v20;
	v22 =	vadd.f32 v22, v33;
	v23 =	vmul.f32 v25, v25;
	v33 =	vld.idx.msk [tilespmem:v26+s13+$0x0], $0xffff  }
0xb6: {  	v21 =	vadd.f32 v21, v39;
	v25 =	vmul.f32 v19, v25;
	v19 =	vmul.f32 v19, v19;
	v26 =	vld.idx.msk [tilespmem:v26+s14+$0x0], $0xffff  }
0xb7: {  	v20 =	vadd.f32 $0.0e+00, v20;
	v22 =	vadd.f32 v23, v22;
	v23 =	vmul.f32 v29, v29;
	v39 =	vld.idx.msk [tilespmem:v34+s13+$0x0], $0xffff  }
0xb8: {  	v19 =	vadd.f32 v19, v21;
	v21 =	vmul.f32 v18, v29;
	v18 =	vmul.f32 v18, v18;
	v29 =	vld.idx.msk [tilespmem:v34+s14+$0x0], $0xffff  }
0xb9: {  	v20 =	vadd.f32 v36, v20;
	v22 =	vadd.f32 v23, v22;
	v23 =	vmul.f32 v37, v37;
	v34 =	vld.idx.msk [tilespmem:v40+s13+$0x0], $0xffff  }
0xba: {  	v18 =	vadd.f32 v18, v19;
	v19 =	vmul.f32 v24, v37;
	v24 =	vmul.f32 v24, v24;
	v36 =	vld.idx.msk [tilespmem:v40+s14+$0x0], $0xffff  }
0xbb: {  	v20 =	vadd.f32 v25, v20;
	v22 =	vadd.f32 v23, v22;
	v23 =	vmul.f32 v33, v33;
	v25 =	vld.idx.msk [tilespmem:v38+s13+$0x0], $0xffff  }
0xbc: {  	v18 =	vadd.f32 v24, v18;
	v24 =	vmul.f32 v26, v33;
	v26 =	vmul.f32 v26, v26;
	v33 =	vld.idx.msk [tilespmem:v38+s14+$0x0], $0xffff  }
0xbd: {  	v20 =	vadd.f32 v21, v20;
	v21 =	vadd.f32 v23, v22;
	v22 =	vmul.f32 v39, v39;
	v23 =	vld.idx.msk [tilespmem:v35+s13+$0x0], $0xffff  }
0xbe: {  	v18 =	vadd.f32 v26, v18;
	v26 =	vmul.f32 v29, v39;
	v29 =	vmul.f32 v29, v29;
	v35 =	vld.idx.msk [tilespmem:v35+s14+$0x0], $0xffff  }
0xbf: {  	v19 =	vadd.f32 v19, v20;
	v20 =	vadd.f32 v22, v21;
	v21 =	vmul.f32 v34, v34;
	v22 =	vld.idx.msk [tilespmem:v30+s13+$0x0], $0xffff  }
0xc0: {  	v18 =	vadd.f32 v29, v18;
	v29 =	vmul.f32 v36, v34;
	v34 =	vmul.f32 v36, v36;
	v30 =	vld.idx.msk [tilespmem:v30+s14+$0x0], $0xffff  }
0xc1: {  	v19 =	vadd.f32 v24, v19;
	v20 =	vadd.f32 v21, v20;
	v21 =	vmul.f32 v25, v25;
	v24 =	vld.idx.msk [tilespmem:v31+s13+$0x0], $0xffff  }
0xc2: {  	v18 =	vadd.f32 v34, v18;
	v25 =	vmul.f32 v33, v25;
	v33 =	vmul.f32 v33, v33;
	v31 =	vld.idx.msk [tilespmem:v31+s14+$0x0], $0xffff  }
0xc3: {  	v19 =	vadd.f32 v26, v19;
	v20 =	vadd.f32 v21, v20;
	v21 =	vmul.f32 v23, v23;
	v26 =	vld.idx.msk [tilespmem:v32+s13+$0x0], $0xffff  }
0xc4: {  	v18 =	vadd.f32 v33, v18;
	v23 =	vmul.f32 v35, v23;
	v33 =	vmul.f32 v35, v35;
	v32 =	vld.idx.msk [tilespmem:v32+s14+$0x0], $0xffff  }
0xc5: {  	v19 =	vadd.f32 v29, v19;
	v20 =	vadd.f32 v21, v20;
	v21 =	vmul.f32 v22, v22;
	v29 =	vld.idx.msk [tilespmem:v27+s13+$0x0], $0xffff  }
0xc6: {  	v18 =	vadd.f32 v33, v18;
	v22 =	vmul.f32 v30, v22;
	v30 =	vmul.f32 v30, v30;
	v27 =	vld.idx.msk [tilespmem:v27+s14+$0x0], $0xffff  }
0xc7: {  	v19 =	vadd.f32 v25, v19;
	v20 =	vadd.f32 v21, v20;
	v21 =	vmul.f32 v24, v24;
	v25 =	vld.idx.msk [tilespmem:v28+s13+$0x0], $0xffff  }
0xc8: {  	v18 =	vadd.f32 v30, v18;
	v24 =	vmul.f32 v31, v24;
	v30 =	vmul.f32 v31, v31;
	v28 =	vld.idx.msk [tilespmem:v28+s14+$0x0], $0xffff  }
0xc9: {  	v19 =	vadd.f32 v23, v19;
	v20 =	vadd.f32 v21, v20;
	v21 =	vmul.f32 v26, v26;
	v23 =	vld.idx.msk [tilespmem:v17+s13+$0x0], $0xffff  }
0xca: {  	v18 =	vadd.f32 v30, v18;
	v26 =	vmul.f32 v32, v26;
	v30 =	vmul.f32 v32, v32;
	v17 =	vld.idx.msk [tilespmem:v17+s14+$0x0], $0xffff  }
0xcb: {  	v19 =	vadd.f32 v22, v19;
	v20 =	vadd.f32 v21, v20;
	v21 =	vmul.f32 v29, v29;
	v22 =	vld.idx.msk [tilespmem:v16+s13+$0x0], $0xffff  }
0xcc: {  	v1 =	vor.u32 $0x13, v1;
	v18 =	vadd.f32 v30, v18;
	v30 =	vmul.f32 v27, v27;
	v16 =	vld.idx.msk [tilespmem:v16+s14+$0x0], $0xffff  }
0xcd: {  	v19 =	vadd.f32 v24, v19;
	v20 =	vadd.f32 v21, v20;
	v21 =	vmul.f32 v25, v25;
	v24 =	vld.idx.msk [tilespmem:v15+s13+$0x0], $0xffff  }
0xce: {  	v27 =	vmul.f32 v27, v29;
	v18 =	vadd.f32 v30, v18;
	v29 =	vmul.f32 v28, v28;
	v15 =	vld.idx.msk [tilespmem:v15+s14+$0x0], $0xffff  }
0xcf: {  	v19 =	vadd.f32 v26, v19;
	v20 =	vadd.f32 v21, v20;
	v21 =	vmul.f32 v23, v23;
	v26 =	vld.idx.msk [tilespmem:v14+s13+$0x0], $0xffff  }
0xd0: {  	v25 =	vmul.f32 v28, v25;
	v18 =	vadd.f32 v29, v18;
	v28 =	vmul.f32 v17, v17;
	v14 =	vld.idx.msk [tilespmem:v14+s14+$0x0], $0xffff  }
0xd1: {  	v19 =	vadd.f32 v27, v19;
	v20 =	vadd.f32 v21, v20;
	v21 =	vmul.f32 v22, v22;
	v27 =	vld.idx.msk [tilespmem:v1+s13+$0x0], $0xffff  }
0xd2: {  	v17 =	vmul.f32 v17, v23;
	v18 =	vadd.f32 v28, v18;
	v23 =	vmul.f32 v16, v16;
	v1 =	vld.idx.msk [tilespmem:v1+s14+$0x0], $0xffff  }
0xd3: {  	v19 =	vadd.f32 v25, v19;
	v20 =	vadd.f32 v21, v20;
	v21 =	vmul.f32 v24, v24;
	v25 =	vld.idx.msk [tilespmem:v13+s13+$0x0], $0xffff  }
0xd4: {  	v16 =	vmul.f32 v16, v22;
	v18 =	vadd.f32 v23, v18;
	v22 =	vmul.f32 v15, v15;
	v13 =	vld.idx.msk [tilespmem:v13+s14+$0x0], $0xffff  }
0xd5: {  	v17 =	vadd.f32 v17, v19;
	v19 =	vadd.f32 v21, v20;
	v20 =	vmul.f32 v26, v26;
	v21 =	vld.idx.msk [tilespmem:v12+s13+$0x0], $0xffff  }
0xd6: {  	v15 =	vmul.f32 v15, v24;
	v18 =	vadd.f32 v22, v18;
	v22 =	vmul.f32 v14, v14;
	v12 =	vld.idx.msk [tilespmem:v12+s14+$0x0], $0xffff  }
0xd7: {  	v16 =	vadd.f32 v16, v17;
	v17 =	vadd.f32 v20, v19;
	v19 =	vmul.f32 v27, v27;
	v20 =	vld.idx.msk [tilespmem:v11+s13+$0x0], $0xffff  }
0xd8: {  	v14 =	vmul.f32 v14, v26;
	v18 =	vadd.f32 v22, v18;
	v22 =	vmul.f32 v1, v1;
	v11 =	vld.idx.msk [tilespmem:v11+s14+$0x0], $0xffff  }
0xd9: {  	v15 =	vadd.f32 v15, v16;
	v16 =	vadd.f32 v19, v17;
	v17 =	vmul.f32 v25, v25;
	v19 =	vld.idx.msk [tilespmem:v10+s13+$0x0], $0xffff  }
0xda: {  	v1 =	vmul.f32 v1, v27;
	v18 =	vadd.f32 v22, v18;
	v22 =	vmul.f32 v13, v13;
	v10 =	vld.idx.msk [tilespmem:v10+s14+$0x0], $0xffff  }
0xdb: {  	v14 =	vadd.f32 v14, v15;
	v15 =	vadd.f32 v17, v16;
	v16 =	vmul.f32 v21, v21;
	v17 =	vld.idx.msk [tilespmem:v9+s13+$0x0], $0xffff  }
0xdc: {  	v13 =	vmul.f32 v13, v25;
	v18 =	vadd.f32 v22, v18;
	v22 =	vmul.f32 v12, v12;
	v9 =	vld.idx.msk [tilespmem:v9+s14+$0x0], $0xffff  }
0xdd: {  	v1 =	vadd.f32 v1, v14;
	v14 =	vadd.f32 v16, v15;
	v15 =	vmul.f32 v20, v20;
	v16 =	vld.idx.msk [tilespmem:v8+s13+$0x0], $0xffff  }
0xde: {  	v12 =	vmul.f32 v12, v21;
	v18 =	vadd.f32 v22, v18;
	v21 =	vmul.f32 v11, v11;
	v8 =	vld.idx.msk [tilespmem:v8+s14+$0x0], $0xffff  }
0xdf: {  	v1 =	vadd.f32 v13, v1;
	v13 =	vadd.f32 v15, v14;
	v14 =	vmul.f32 v19, v19;
	v15 =	vld.idx.msk [tilespmem:v7+s13+$0x0], $0xffff  }
0xe0: {  	v11 =	vmul.f32 v11, v20;
	v18 =	vadd.f32 v21, v18;
	v20 =	vmul.f32 v10, v10;
	v7 =	vld.idx.msk [tilespmem:v7+s14+$0x0], $0xffff  }
0xe1: {  	v1 =	vadd.f32 v12, v1;
	v12 =	vadd.f32 v14, v13;
	v13 =	vmul.f32 v17, v17;
	v14 =	vld.idx.msk [tilespmem:v6+s13+$0x0], $0xffff  }
0xe2: {  	v10 =	vmul.f32 v10, v19;
	v18 =	vadd.f32 v20, v18;
	v19 =	vmul.f32 v9, v9;
	v6 =	vld.idx.msk [tilespmem:v6+s14+$0x0], $0xffff  }
0xe3: {  	v1 =	vadd.f32 v11, v1;
	v11 =	vadd.f32 v13, v12;
	v12 =	vmul.f32 v16, v16;
	v13 =	vld.idx.msk [tilespmem:v5+s13+$0x0], $0xffff  }
0xe4: {  	v9 =	vmul.f32 v9, v17;
	v17 =	vadd.f32 v19, v18;
	v18 =	vmul.f32 v8, v8;
	v5 =	vld.idx.msk [tilespmem:v5+s14+$0x0], $0xffff  }
0xe5: {  	v1 =	vadd.f32 v10, v1;
	v10 =	vadd.f32 v12, v11;
	v11 =	vmul.f32 v15, v15;
	v12 =	vld.idx.msk [tilespmem:v4+s13+$0x0], $0xffff  }
0xe6: {  	v8 =	vmul.f32 v8, v16;
	v16 =	vadd.f32 v18, v17;
	v17 =	vmul.f32 v7, v7;
	v4 =	vld.idx.msk [tilespmem:v4+s14+$0x0], $0xffff  }
0xe7: {  	v1 =	vadd.f32 v9, v1;
	v9 =	vadd.f32 v11, v10;
	v10 =	vmul.f32 v14, v14;
	v11 =	vld.idx.msk [tilespmem:v3+s13+$0x0], $0xffff  }
0xe8: {  	v7 =	vmul.f32 v7, v15;
	v15 =	vadd.f32 v17, v16;
	v16 =	vmul.f32 v6, v6;
	v3 =	vld.idx.msk [tilespmem:v3+s14+$0x0], $0xffff  }
0xe9: {  	v1 =	vadd.f32 v8, v1;
	v8 =	vadd.f32 v10, v9;
	v9 =	vmul.f32 v13, v13;
	v10 =	vld.idx.msk [tilespmem:v2+s13+$0x0], $0xffff  }
0xea: {  	v6 =	vmul.f32 v6, v14;
	v14 =	vadd.f32 v16, v15;
	v15 =	vmul.f32 v5, v5;
	v2 =	vld.idx.msk [tilespmem:v2+s14+$0x0], $0xffff  }
0xeb: {  	v1 =	vadd.f32 v7, v1;
	v7 =	vadd.f32 v9, v8;
	v8 =	vmul.f32 v12, v12  }
0xec: {  	v5 =	vmul.f32 v5, v13;
	v9 =	vadd.f32 v15, v14;
	v13 =	vmul.f32 v4, v4  }
0xed: {  	v1 =	vadd.f32 v6, v1;
	v6 =	vadd.f32 v8, v7;
	v7 =	vmul.f32 v11, v11  }
0xee: {  	v4 =	vmul.f32 v4, v12;
	v8 =	vadd.f32 v13, v9;
	v9 =	vmul.f32 v3, v3  }
0xef: {  	v1 =	vadd.f32 v5, v1;
	v5 =	vadd.f32 v7, v6;
	v6 =	vmul.f32 v10, v10  }
0xf0: {  	v7 =	vadd.f32 v9, v8;
	v8 =	vmul.f32 v2, v10;
	v2 =	vmul.f32 v2, v2  }
0xf1: {  	v3 =	vmul.f32 v3, v11;
	v1 =	vadd.f32 v4, v1;
	v4 =	vadd.f32 v6, v5  }
0xf2: {  	v2 =	vadd.f32 v2, v7  }
0xf3: {  	v1 =	vadd.f32 v3, v1;
	v3 =	vmax.f32 v4, $1.000000020e-24  }
0xf4: {  	v2 =	vmax.f32 v2, $1.000000020e-24;
	v4 =	vshra.s32 v3, $0x1;
	v5 =	vmul.f32 $5.000000000e-01, v3  }
0xf5: {  	v4 =	vsub.s32 $0x5F3759DF, v4;
	v6 =	vshra.s32 v2, $0x1;
	v7 =	vmul.f32 $5.000000000e-01, v2  }
0xf6: {  	v9 =	vmul.f32 v4, v5;
	v6 =	vsub.s32 $0x5F3759DF, v6  }
0xf7: {  	v10 =	vmul.f32 v6, v7  }
0xf8: {  	v9 =	vmul.f32 v4, v9  }
0xf9: {  	v10 =	vmul.f32 v6, v10  }
0xfa: {  	v9 =	vsub.f32 $1.500000000e+00, v9  }
0xfb: {  	v10 =	vsub.f32 $1.500000000e+00, v10  }
0xfc: {  	v4 =	vmul.f32 v4, v9  }
0xfd: {  	v6 =	vmul.f32 v6, v10  }
0xfe: {  	v9 =	vmul.f32 v4, v5  }
0xff: {  	v10 =	vmul.f32 v6, v7  }
0x100: {  	v9 =	vmul.f32 v9, v4  }
0x101: {  	v10 =	vmul.f32 v10, v6  }
0x102: {  	v9 =	vsub.f32 $1.500000000e+00, v9  }
0x103: {  	v10 =	vsub.f32 $1.500000000e+00, v10  }
0x104: {  	v4 =	vmul.f32 v9, v4  }
0x105: {  	v6 =	vmul.f32 v10, v6  }
0x106: {  	v5 =	vmul.f32 v4, v5  }
0x107: {  	v7 =	vmul.f32 v6, v7  }
0x108: {  	v5 =	vmul.f32 v5, v4  }
0x109: {  	v7 =	vmul.f32 v7, v6  }
0x10a: {  	v5 =	vsub.f32 $1.500000000e+00, v5  }
0x10b: {  	v7 =	vsub.f32 $1.500000000e+00, v7  }
0x10c: {  	v4 =	vmul.f32 v5, v4  }
0x10d: {  	v5 =	vmul.f32 v7, v6;
	v6 =	vld [tilespmem:s22+$0x0]  }
0x10e: {  	v3 =	vmul.f32 v4, v3  }
0x10f: {  	v4 =	vmin.f32 v4, $1.000000000e+00;
	v2 =	vmul.f32 v5, v2;
	v7 =	vld [tilespmem:s21+$0x0]  }
0x110: {  	v3 =	vmul.f32 v4, v3;
	_ =	sdelay $0x1  }
0x111: {  	v2 =	vmul.f32 v2, v3;
	v3 =	vand.u32 $0x7FFFFFFF, v6  }
0x112: {  	v5 =	vmin.f32 v5, $1.000000000e+00;
	v3 =	vmax.f32 v3, $1.000000010e-07  }
0x113: {  	v2 =	vmul.f32 v2, v5;
	v9 =	vand.u32 $0x7FFFFFFF, v7;
	(erf) = vrcp.f32 v3  }
0x114: {  	v3 =	vmax.f32 v9, $1.000000010e-07  }
0x115: {  	v2 =	vmax.f32 v2, $9.999999930e-09;
	(erf) = vrcp.f32 v3  }
0x116: {  	(erf) = vrcp.f32 v2;
	_ =	sdelay $0x3  }
0x117: {  	v1 =	vadd.f32 v8, v1;
	_ =	sdelay $0x1  }
0x118: {  	v1 =	vmul.f32 v4, v1;
	v2 =	vpop (erf)  }
0x119: {  	v2 =	vadd.f32 v2, v2  }
0x11a: {  	v1 =	vmul.f32 v5, v1;
	v3 =	vpop (erf)  }
0x11b: {  	v2 =	vmin.f32 v2, $1.000000000e+00;
	v3 =	vadd.f32 v3, v3;
	v4 =	vpop (erf)  }
0x11c: {  	v1 =	vmul.f32 v4, v1;
	v2 =	vmul.f32 v2, v6  }
0x11d: {  	v3 =	vmin.f32 v3, $1.000000000e+00  }
0x11e: {  	v3 =	vmul.f32 v3, v7;
	v1 =	vadd.f32 v1, v2;
	_ =	sdelay $0x1  }
.Ltmp0:
0x11f: {  	v2 =	vmov s26;
	v3 =	vadd.f32 v1, v3;
	(pc) =	sbr.rel @p0 .LBB2_2-.Ltmp0, $4  }
0x120: {  	v1 =	vshll.u32 v2, $0x5  }
0x121: {  	v1 =	vor.u32 v0, v1;
	v2 =	vadd.f32 v3, v3  }
0x122: {  	v10 =	vor.u32 $0x1, v1;
	v19 =	vor.u32 $0x2, v1;
	v18 =	vor.u32 $0x3, v1  }
0x123: {  	s28 =	smov.u32 s25;
	s23 =	sadd.s32 $0x10, s23;
	v2 =	vadd.f32 $3.000000000e+00, v2  }
0x124: {  	_ = 	snop  }
0x125: {  	v2 =	vmax.f32 v2, $1.000000000e+00  }
0x126: {  	v2 =	vmin.f32 v2, $5.000000000e+00  }
0x127: {  	[tilespmem:s24+$0x0] =	vst v2  }
0x128: {  	v39 =	vld.idx.msk [tilespmem:v1+s13+$0x0], $0xffff  }
0x129: {  	v36 =	vld.idx.msk [tilespmem:v10+s14+$0x0], $0xffff  }
0x12a: {  	v43 =	vld.idx.msk [tilespmem:v10+s13+$0x0], $0xffff  }
0x12b: {  	v2 =	vor.u32 $0x4, v1;
	v42 =	vld.idx.msk [tilespmem:v1+s14+$0x0], $0xffff  }
0x12c: {  	v40 =	vld.idx.msk [tilespmem:v19+s13+$0x0], $0xffff  }
0x12d: {  	v3 =	vor.u32 $0x5, v1;
	v41 =	vld.idx.msk [tilespmem:v19+s14+$0x0], $0xffff  }
0x12e: {  	v37 =	vld.idx.msk [tilespmem:v18+s13+$0x0], $0xffff  }
0x12f: {  	v5 =	vor.u32 $0x6, v1;
	v38 =	vld.idx.msk [tilespmem:v18+s14+$0x0], $0xffff  }
0x130: {  	v31 =	vld.idx.msk [tilespmem:v2+s13+$0x0], $0xffff;
	v4 =	vmul.f32 v39, v39;
	v6 =	vmul.f32 v43, v43  }
0x131: {  	v9 =	vor.u32 $0x8, v1;
	v34 =	vld.idx.msk [tilespmem:v2+s14+$0x0], $0xffff;
	v2 =	vor.u32 $0x7, v1;
	v7 =	vmul.f32 v42, v42  }
0x132: {  	v26 =	vld.idx.msk [tilespmem:v3+s13+$0x0], $0xffff;
	v8 =	vmul.f32 v36, v36;
	v17 =	vmul.f32 v40, v40;
	v4 =	vadd.f32 v6, v4  }
0x133: {  	v30 =	vld.idx.msk [tilespmem:v3+s14+$0x0], $0xffff;
	v18 =	vmul.f32 v41, v41  }
0x134: {  	v23 =	vld.idx.msk [tilespmem:v5+s13+$0x0], $0xffff;
	v19 =	vmul.f32 v37, v37;
	v7 =	vadd.f32 v8, v7;
	v3 =	vadd.f32 v17, v4  }
0x135: {  	v32 =	vor.u32 $0x9, v1;
	v27 =	vld.idx.msk [tilespmem:v5+s14+$0x0], $0xffff;
	v22 =	vmul.f32 v38, v38  }
0x136: {  	v5 =	vld.idx.msk [tilespmem:v9+s13+$0x0], $0xffff;
	v21 =	vadd.f32 v18, v7;
	v33 =	vmul.f32 v31, v31;
	v3 =	vadd.f32 v19, v3  }
0x137: {  	v12 =	vor.u32 $0xA, v1;
	v7 =	vld.idx.msk [tilespmem:v2+s13+$0x0], $0xffff;
	v35 =	vmul.f32 v34, v34  }
0x138: {  	v16 =	vld.idx.msk [tilespmem:v2+s14+$0x0], $0xffff;
	v6 =	vadd.f32 v22, v21;
	v2 =	vadd.f32 v33, v3;
	v3 =	vmul.f32 v26, v26  }
0x139: {  	v13 =	vor.u32 $0xB, v1;
	v44 =	vmul.f32 v30, v30  }
0x13a: {  	v14 =	vld.idx.msk [tilespmem:v9+s14+$0x0], $0xffff;
	v6 =	vadd.f32 v35, v6;
	v2 =	vadd.f32 v3, v2;
	v3 =	vmul.f32 v23, v23  }
0x13b: {  	v46 =	vor.u32 $0xC, v1;
	v45 =	vmul.f32 v27, v27;
	v4 =	vld.idx.msk [tilespmem:v32+s13+$0x0], $0xffff  }
0x13c: {  	v11 =	vld.idx.msk [tilespmem:v32+s14+$0x0], $0xffff;
	v47 =	vmul.f32 v7, v7;
	v6 =	vadd.f32 v44, v6;
	v3 =	vadd.f32 v3, v2  }
0x13d: {  	v49 =	vmul.f32 v5, v5;
	v17 =	vor.u32 $0xD, v1;
	v2 =	vld.idx.msk [tilespmem:v12+s13+$0x0], $0xffff  }
0x13e: {  	v8 =	vld.idx.msk [tilespmem:v12+s14+$0x0], $0xffff;
	v15 =	vmul.f32 v16, v16;
	v6 =	vadd.f32 v45, v6;
	v48 =	vadd.f32 v47, v3  }
0x13f: {  	v20 =	vor.u32 $0xE, v1;
	v50 =	vmul.f32 v14, v14;
	v3 =	vld.idx.msk [tilespmem:v13+s13+$0x0], $0xffff  }
0x140: {  	v10 =	vld.idx.msk [tilespmem:v13+s14+$0x0], $0xffff;
	v51 =	vmul.f32 v4, v4;
	v15 =	vadd.f32 v15, v6;
	v12 =	vadd.f32 v49, v48  }
0x141: {  	v53 =	vmul.f32 v11, v11;
	v21 =	vor.u32 $0xF, v1;
	v6 =	vld.idx.msk [tilespmem:v46+s13+$0x0], $0xffff  }
0x142: {  	v52 =	vadd.f32 v50, v15;
	v15 =	vld.idx.msk [tilespmem:v46+s14+$0x0], $0xffff;
	v55 =	vmul.f32 v2, v2;
	v54 =	vadd.f32 v51, v12  }
0x143: {  	v24 =	vor.u32 $0x10, v1;
	v22 =	vmul.f32 v8, v8;
	v12 =	vld.idx.msk [tilespmem:v17+s13+$0x0], $0xffff  }
0x144: {  	v9 =	vld.idx.msk [tilespmem:v20+s13+$0x0], $0xffff;
	v18 =	vadd.f32 v53, v52;
	v25 =	vmul.f32 v3, v3;
	v13 =	vadd.f32 v55, v54  }
0x145: {  	v28 =	vor.u32 $0x11, v1;
	v56 =	vmul.f32 v10, v10;
	v19 =	vld.idx.msk [tilespmem:v17+s14+$0x0], $0xffff  }
0x146: {  	v17 =	vld.idx.msk [tilespmem:v20+s14+$0x0], $0xffff;
	v29 =	vmul.f32 v6, v6;
	v18 =	vadd.f32 v22, v18;
	v25 =	vadd.f32 v25, v13  }
0x147: {  	v33 =	vor.u32 $0x12, v1;
	v32 =	vmul.f32 v15, v15;
	v13 =	vld.idx.msk [tilespmem:v21+s13+$0x0], $0xffff  }
0x148: {  	v20 =	vld.idx.msk [tilespmem:v21+s14+$0x0], $0xffff;
	v22 =	vadd.f32 v56, v18;
	v57 =	vmul.f32 v12, v12;
	v25 =	vadd.f32 v29, v25  }
0x149: {  	v43 =	vmul.f32 v36, v43;
	v58 =	vmul.f32 v9, v9;
	v44 =	vor.u32 $0x13, v1;
	v18 =	vld.idx.msk [tilespmem:v24+s13+$0x0], $0xffff  }
0x14a: {  	v35 =	vmul.f32 v19, v19;
	v21 =	vld.idx.msk [tilespmem:v24+s14+$0x0], $0xffff;
	v32 =	vadd.f32 v32, v22;
	v25 =	vadd.f32 v57, v25  }
0x14b: {  	v42 =	vmul.f32 v42, v39;
	v46 =	vor.u32 $0x14, v1;
	v59 =	vmul.f32 v17, v17;
	v22 =	vld.idx.msk [tilespmem:v28+s13+$0x0], $0xffff  }
0x14c: {  	v24 =	vld.idx.msk [tilespmem:v28+s14+$0x0], $0xffff;
	v32 =	vadd.f32 v35, v32;
	v47 =	vmul.f32 v13, v13;
	v29 =	vadd.f32 v58, v25  }
0x14d: {  	v42 =	vadd.f32 $0.0e+00, v42;
	v49 =	vor.u32 $0x15, v1;
	v60 =	vmul.f32 v20, v20;
	v25 =	vld.idx.msk [tilespmem:v33+s13+$0x0], $0xffff  }
0x14e: {  	v28 =	vld.idx.msk [tilespmem:v33+s14+$0x0], $0xffff;
	v62 =	vmul.f32 v18, v18;
	v32 =	vadd.f32 v59, v32;
	v61 =	vadd.f32 v47, v29  }
0x14f: {  	v43 =	vadd.f32 v43, v42;
	v52 =	vor.u32 $0x16, v1;
	v51 =	vmul.f32 v21, v21;
	v29 =	vld.idx.msk [tilespmem:v44+s13+$0x0], $0xffff  }
0x150: {  	v33 =	vld.idx.msk [tilespmem:v46+s13+$0x0], $0xffff;
	v57 =	vmul.f32 v22, v22;
	v35 =	vadd.f32 v60, v32;
	v63 =	vadd.f32 v62, v61  }
0x151: {  	v26 =	vmul.f32 v30, v26;
	v55 =	vor.u32 $0x17, v1;
	v54 =	vmul.f32 v24, v24;
	v32 =	vld.idx.msk [tilespmem:v44+s14+$0x0], $0xffff  }
0x152: {  	v36 =	vld.idx.msk [tilespmem:v49+s13+$0x0], $0xffff;
	v51 =	vadd.f32 v51, v35;
	v58 =	vmul.f32 v25, v25;
	v44 =	vadd.f32 v57, v63  }
0x153: {  	v23 =	vmul.f32 v27, v23;
	v50 =	vor.u32 $0x18, v1;
	v60 =	vmul.f32 v28, v28;
	v35 =	vld.idx.msk [tilespmem:v46+s14+$0x0], $0xffff  }
0x154: {  	v39 =	vld.idx.msk [tilespmem:v49+s14+$0x0], $0xffff;
	v59 =	vadd.f32 v54, v51;
	v61 =	vmul.f32 v29, v29;
	v44 =	vadd.f32 v58, v44  }
0x155: {  	v53 =	vor.u32 $0x19, v1;
	v49 =	vmul.f32 v41, v40;
	v40 =	vld.idx.msk [tilespmem:v52+s13+$0x0], $0xffff;
	v63 =	vmul.f32 v33, v33  }
0x156: {  	v41 =	vld.idx.msk [tilespmem:v52+s14+$0x0], $0xffff;
	v62 =	vmul.f32 v32, v32;
	v47 =	vadd.f32 v60, v59;
	v44 =	vadd.f32 v61, v44  }
0x157: {  	v52 =	vmul.f32 v38, v37;
	v37 =	vld.idx.msk [tilespmem:v55+s13+$0x0], $0xffff;
	v58 =	vor.u32 $0x1A, v1;
	v59 =	vmul.f32 v36, v36  }
0x158: {  	v38 =	vld.idx.msk [tilespmem:v55+s14+$0x0], $0xffff;
	v57 =	vmul.f32 v35, v35;
	v47 =	vadd.f32 v62, v47;
	v44 =	vadd.f32 v63, v44  }
0x159: {  	v45 =	vor.u32 $0x1B, v1;
	v42 =	vld.idx.msk [tilespmem:v50+s13+$0x0], $0xffff;
	v55 =	vmul.f32 v34, v31;
	v60 =	vmul.f32 v39, v39  }
0x15a: {  	v34 =	vld.idx.msk [tilespmem:v50+s14+$0x0], $0xffff;
	v61 =	vmul.f32 v40, v40;
	v47 =	vadd.f32 v57, v47;
	v44 =	vadd.f32 v59, v44  }
0x15b: {  	v48 =	vor.u32 $0x1C, v1;
	v43 =	vadd.f32 v49, v43;
	v31 =	vld.idx.msk [tilespmem:v53+s13+$0x0], $0xffff;
	v62 =	vmul.f32 v41, v41  }
0x15c: {  	v51 =	vld.idx.msk [tilespmem:v53+s14+$0x0], $0xffff;
	v63 =	vmul.f32 v37, v37;
	v47 =	vadd.f32 v60, v47;
	v44 =	vadd.f32 v61, v44  }
0x15d: {  	v50 =	vor.u32 $0x1D, v1;
	v43 =	vadd.f32 v52, v43;
	v56 =	vmul.f32 v38, v38;
	v30 =	vld.idx.msk [tilespmem:v58+s13+$0x0], $0xffff  }
0x15e: {  	v27 =	vld.idx.msk [tilespmem:v45+s13+$0x0], $0xffff;
	v57 =	vmul.f32 v42, v42;
	v47 =	vadd.f32 v62, v47;
	v44 =	vadd.f32 v63, v44  }
0x15f: {  	v43 =	vadd.f32 v55, v43;
	v52 =	vld.idx.msk [tilespmem:v58+s14+$0x0], $0xffff;
	v58 =	vmul.f32 v34, v34;
	v59 =	vor.u32 $0x1E, v1  }
0x160: {  	v45 =	vld.idx.msk [tilespmem:v45+s14+$0x0], $0xffff;
	v60 =	vmul.f32 v31, v31;
	v47 =	vadd.f32 v56, v47;
	v44 =	vadd.f32 v57, v44  }
0x161: {  	v26 =	vadd.f32 v26, v43;
	v54 =	vld.idx.msk [tilespmem:v48+s13+$0x0], $0xffff;
	v1 =	vor.u32 $0x1F, v1;
	v61 =	vmul.f32 v51, v51  }
0x162: {  	v48 =	vld.idx.msk [tilespmem:v48+s14+$0x0], $0xffff;
	v62 =	vmul.f32 v30, v30;
	v47 =	vadd.f32 v58, v47;
	v44 =	vadd.f32 v60, v44  }
0x163: {  	v7 =	vmul.f32 v16, v7;
	v55 =	vmul.f32 v27, v27;
	v43 =	vld.idx.msk [tilespmem:v50+s13+$0x0], $0xffff;
	v23 =	vadd.f32 v23, v26  }
0x164: {  	v16 =	vld.idx.msk [tilespmem:v50+s14+$0x0], $0xffff;
	v63 =	vmul.f32 v52, v52;
	v47 =	vadd.f32 v61, v47;
	v44 =	vadd.f32 v62, v44  }
0x165: {  	v5 =	vmul.f32 v14, v5;
	v7 =	vadd.f32 v7, v23;
	v56 =	vmul.f32 v45, v45;
	v26 =	vld.idx.msk [tilespmem:v59+s13+$0x0], $0xffff  }
0x166: {  	v23 =	vld.idx.msk [tilespmem:v1+s13+$0x0], $0xffff;
	v57 =	vmul.f32 v54, v54;
	v47 =	vadd.f32 v63, v47;
	v44 =	vadd.f32 v55, v44  }
0x167: {  	v4 =	vmul.f32 v11, v4;
	v5 =	vadd.f32 v5, v7;
	v14 =	vld.idx.msk [tilespmem:v59+s14+$0x0], $0xffff;
	v58 =	vmul.f32 v48, v48  }
0x168: {  	v60 =	vmul.f32 v43, v43;
	v47 =	vadd.f32 v56, v47;
	v59 =	vadd.f32 v57, v44  }
0x169: {  	v2 =	vmul.f32 v8, v2;
	v4 =	vadd.f32 v4, v5;
	v1 =	vld.idx.msk [tilespmem:v1+s14+$0x0], $0xffff;
	v62 =	vmul.f32 v16, v16  }
0x16a: {  	v63 =	vmul.f32 v26, v26;
	v61 =	vadd.f32 v58, v47;
	v11 =	vadd.f32 v60, v59  }
0x16b: {  	v3 =	vmul.f32 v10, v3;
	v2 =	vadd.f32 v2, v4;
	v50 =	vmul.f32 v23, v23  }
0x16c: {  	v47 =	vmul.f32 v14, v14;
	v46 =	vadd.f32 v62, v61;
	v49 =	vadd.f32 v63, v11  }
0x16d: {  	v6 =	vmul.f32 v15, v6;
	v2 =	vadd.f32 v3, v2  }
0x16e: {  	v56 =	vmul.f32 v1, v1;
	v53 =	vadd.f32 v47, v46;
	v55 =	vadd.f32 v50, v49  }
0x16f: {  	v2 =	vadd.f32 v6, v2  }
0x170: {  	v58 =	vmul.f32 v19, v12;
	v3 =	vadd.f32 v56, v53;
	v57 =	vmax.f32 v55, $1.000000020e-24  }
0x171: {  	v9 =	vmul.f32 v17, v9;
	v59 =	vshra.s32 v57, $0x1;
	v60 =	vmul.f32 $5.000000000e-01, v57  }
0x172: {  	v2 =	vadd.f32 v58, v2;
	v3 =	vmax.f32 v3, $1.000000020e-24;
	v61 =	vsub.s32 $0x5F3759DF, v59  }
0x173: {  	v62 =	vshra.s32 v3, $0x1;
	v63 =	vmul.f32 $5.000000000e-01, v3;
	v15 =	vmul.f32 v61, v60  }
0x174: {  	v19 =	vmul.f32 v20, v13;
	v17 =	vsub.s32 $0x5F3759DF, v62  }
0x175: {  	v2 =	vadd.f32 v9, v2;
	v7 =	vmul.f32 v17, v63;
	v11 =	vmul.f32 v61, v15  }
0x176: {  	v21 =	vmul.f32 v21, v18  }
0x177: {  	v2 =	vadd.f32 v19, v2;
	v7 =	vmul.f32 v17, v7;
	v20 =	vsub.f32 $1.500000000e+00, v11  }
0x178: {  	v22 =	vmul.f32 v24, v22  }
0x179: {  	v2 =	vadd.f32 v21, v2;
	v7 =	vsub.f32 $1.500000000e+00, v7;
	v6 =	vmul.f32 v61, v20  }
0x17a: {  	v25 =	vmul.f32 v28, v25  }
0x17b: {  	v2 =	vadd.f32 v22, v2;
	v5 =	vmul.f32 v17, v7;
	v24 =	vmul.f32 v6, v60  }
0x17c: {  	v32 =	vmul.f32 v32, v29  }
0x17d: {  	v2 =	vadd.f32 v25, v2;
	v28 =	vmul.f32 v5, v63;
	v7 =	vmul.f32 v24, v6  }
0x17e: {  	v35 =	vmul.f32 v35, v33  }
0x17f: {  	v2 =	vadd.f32 v32, v2;
	v9 =	vmul.f32 v28, v5;
	v7 =	vsub.f32 $1.500000000e+00, v7  }
0x180: {  	v39 =	vmul.f32 v39, v36  }
0x181: {  	v2 =	vadd.f32 v35, v2;
	v9 =	vsub.f32 $1.500000000e+00, v9;
	v6 =	vmul.f32 v7, v6  }
0x182: {  	v44 =	vmul.f32 v41, v40  }
0x183: {  	v2 =	vadd.f32 v39, v2;
	v5 =	vmul.f32 v9, v5;
	v8 =	vmul.f32 v6, v60  }
0x184: {  	v47 =	vmul.f32 v38, v37  }
0x185: {  	v2 =	vadd.f32 v44, v2;
	v46 =	vmul.f32 v5, v63;
	v8 =	vmul.f32 v8, v6  }
0x186: {  	v49 =	vmul.f32 v34, v42  }
0x187: {  	v2 =	vadd.f32 v47, v2;
	v7 =	vmul.f32 v46, v5;
	v8 =	vsub.f32 $1.500000000e+00, v8  }
0x188: {  	v50 =	vmul.f32 v51, v31  }
0x189: {  	s22 =	sadd.s32 $0x10, s22;
	v2 =	vadd.f32 v49, v2;
	v7 =	vsub.f32 $1.500000000e+00, v7;
	v6 =	vmul.f32 v8, v6  }
0x18a: {  	v51 =	vld [tilespmem:s22+$0x0];
	v53 =	vmul.f32 v52, v30  }
0x18b: {  	s21 =	sadd.s32 $0x10, s21;
	v2 =	vadd.f32 v50, v2;
	v5 =	vmul.f32 v7, v5;
	v4 =	vmul.f32 v6, v57  }
0x18c: {  	v56 =	vmul.f32 v45, v27;
	v55 =	vld [tilespmem:s21+$0x0];
	v6 =	vmin.f32 v6, $1.000000000e+00  }
0x18d: {  	v2 =	vadd.f32 v53, v2;
	v3 =	vmul.f32 v5, v3;
	v4 =	vmul.f32 v6, v4;
	_ =	sdelay $0x1  }
0x18e: {  	v58 =	vand.u32 $0x7FFFFFFF, v51;
	v2 =	vadd.f32 v56, v2;
	v3 =	vmul.f32 v3, v4  }
0x18f: {  	v57 =	vmul.f32 v48, v54;
	v5 =	vmin.f32 v5, $1.000000000e+00;
	v4 =	vmax.f32 v58, $1.000000010e-07  }
0x190: {  	v59 =	vand.u32 $0x7FFFFFFF, v55;
	(erf) = vrcp.f32 v4;
	v3 =	vmul.f32 v3, v5  }
0x191: {  	v61 =	vmax.f32 v59, $1.000000010e-07;
	v60 =	vmul.f32 v16, v43;
	v2 =	vadd.f32 v57, v2  }
0x192: {  	(erf) = vrcp.f32 v61;
	v3 =	vmax.f32 v3, $9.999999930e-09  }
0x193: {  	v62 =	vmul.f32 v14, v26;
	v2 =	vadd.f32 v60, v2;
	(erf) = vrcp.f32 v3;
	_ =	sdelay $0x1  }
0x194: {  	v1 =	vmul.f32 v1, v23;
	v2 =	vadd.f32 v62, v2;
	_ =	sdelay $0x1  }
0x195: {  	v1 =	vadd.f32 v1, v2;
	_ =	sdelay $0x1  }
0x196: {  	v1 =	vmul.f32 v6, v1;
	v2 =	vpop (erf)  }
0x197: {  	v2 =	vadd.f32 v2, v2  }
0x198: {  	v1 =	vmul.f32 v5, v1;
	v3 =	vpop (erf)  }
0x199: {  	v3 =	vadd.f32 v3, v3;
	v2 =	vmin.f32 v2, $1.000000000e+00;
	v63 =	vpop (erf)  }
0x19a: {  	v2 =	vmul.f32 v2, v51;
	v1 =	vmul.f32 v63, v1  }
0x19b: {  	v3 =	vmin.f32 v3, $1.000000000e+00  }
0x19c: {  	v3 =	vmul.f32 v3, v55;
	v1 =	vadd.f32 v1, v2;
	_ =	sdelay $0x1  }
0x19d: {  	v1 =	vadd.f32 v1, v3;
	_ =	sdelay $0x1  }
0x19e: {  	v1 =	vadd.f32 v1, v1;
	_ =	sdelay $0x1  }
0x19f: {  	v1 =	vadd.f32 $3.000000000e+00, v1;
	_ =	sdelay $0x1  }
0x1a0: {  	s20 =	sadd.s32 $0x1, s20;
	v1 =	vmax.f32 v1, $1.000000000e+00  }
0x1a1: {  	p0 =	sne.s32 s20, s10;
	v1 =	vmin.f32 v1, $5.000000000e+00  }
.Ltmp1:
0x1a2: {  	[tilespmem:s23+$0x0] =	vst v1;
	(pc) =	sbr.rel @p0 .LBB2_1-.Ltmp1, $4  }
0x1a3: {  	[hbm4b:s9+s2] =	stream.linear.scatter [tilespmem:s19], [sflag:$0x5], $0x200, $0x38;
	[tilespmem:$0x8A00] =	vst v63  }
0x1a4: {  	_ =	swait.ge [sflag:s11], $0x200  }
0x1a5: {  	[sflag:s11] =	ssyncset.done $0x0  }
0x1a6: {  	[sflag:s11] =	ssyncadd.s32 $0xFFFFFE00  }
0x1a7: {  	_ =	sfence.sel $0x180000  }
0x1a8: {  	[bflag:$0x0] =	sbarrier.arrive $0xFFFF  }
0x1a9: {  	p0 =	sne.s32 s3, $0x0;
	_ =	strace $0x90000047  }
0x1aa: {  	s0 =	sadd.s32 @!p0 $0x100000, s0;
	[bflag:$0x2] =	sbarrier.arrive $0xFFFF  }
0x1ab: {  	[sflag:s0] =	ssyncadd.tile.s32 @!p0 $0x1;
	_ =	shalt  }
.Lfunc_end2:
_tile_overlayer_lowered:
.L_overlay_start_2:
0x1ac: {  	(tag) =	ssettag $0x2  }
0x1ad: {  	s0 =	rddreg [dreg:$0x0];
	s2 =	stileid.u32  }
0x1ae: {  	s1 =	rddreg [dreg:$0x1];
	p0 =	sne.s32 s2, $0x0  }
0x1af: {  	s3 =	rddreg [dreg:$0x2];
	[bflag:$0x3] =	sbarrier.arrive $0xFFFF;
	s2 =	simm.s32 @!p0 $0x1C05  }
0x1b0: {  	[timem:s3], [sflag:s2] =	dma.local @!p0 [hbm:s0], s1  }
0x1b1: {  	s0 =	simm.s32 @!p0 $0x5  }
0x1b2: {  	_ =	swait.ge @!p0 [sflag:s0], s1  }
0x1b3: {  	s1 =	ssub.s32 @!p0 $0x0, s1;
	[sflag:s0] =	ssyncset.done @!p0 $0x0  }
0x1b4: {  	[sflag:s0] =	ssyncadd.s32 @!p0 s1  }
0x1b5: {  	[bflag:$0x3] =	sbarrier.arrive $0xFFFF  }
0x1b6: {  	_ =	shalt  }

</sc_bundles>
